<compile_context>
chip_gen: v7x
topology: tpu7x:2x2x1
jax: 0.10.2.dev20260603
libtpu: 0.0.44.dev20260713+nightly
codegen_flags: <defaults>
</compile_context>

<pallas_src>
import functools

import jax
import jax.numpy as jnp
from jax import lax
from jax.experimental import pallas as pl
from jax.experimental.pallas import tpu as pltpu
from jax.experimental.pallas import tpu_sc as plsc

_EPS = 1e-5
_SCALING = 0.1

_DIM = 64
_R = 16

_NC = 2
_NS = 16
_NW = _NC * _NS

_STEP = 128


_DEPTH = 5


def _sc_gather_kernel(n_per_w, n_groups, idx_hbm, base_hbm, lora_hbm,
                      out_base_hbm, out_lora_hbm,
                      idx_v, brows, lrows, sem_i, gsems_b, gsems_l, wsems):
  wid = lax.axis_index("s") * _NC + lax.axis_index("c")
  gbase = wid * n_per_w

  pltpu.async_copy(idx_hbm.at[pl.ds(gbase, n_per_w)], idx_v, sem_i).wait()

  def fire(j, b):
    off = j * _STEP
    pltpu.async_copy(base_hbm.at[idx_v.at[pl.ds(off, _STEP)]], brows.at[b],
                     gsems_b.at[b])
    pltpu.async_copy(lora_hbm.at[idx_v.at[pl.ds(off, _STEP)]], lrows.at[b],
                     gsems_l.at[b])

  def drain_gather(j, b):
    off = j * _STEP
    pltpu.make_async_copy(base_hbm.at[idx_v.at[pl.ds(off, _STEP)]],
                          brows.at[b], gsems_b.at[b]).wait()
    pltpu.make_async_copy(lora_hbm.at[idx_v.at[pl.ds(off, _STEP)]],
                          lrows.at[b], gsems_l.at[b]).wait()

  for b in range(_DEPTH):
    fire(b, b)

  def group(g, carry):
    for b in range(_DEPTH):
      j = g * _DEPTH + b
      off = j * _STEP
      drain_gather(j, b)
      pltpu.async_copy(brows.at[b], out_base_hbm.at[pl.ds(gbase + off, _STEP)],
                       wsems.at[b])
      pltpu.async_copy(lrows.at[b], out_lora_hbm.at[pl.ds(gbase + off, _STEP)],
                       wsems.at[b])
    for b in range(_DEPTH):
      j = g * _DEPTH + b
      off = j * _STEP
      pltpu.make_async_copy(brows.at[b],
                            out_base_hbm.at[pl.ds(gbase + off, _STEP)],
                            wsems.at[b]).wait()
      pltpu.make_async_copy(lrows.at[b],
                            out_lora_hbm.at[pl.ds(gbase + off, _STEP)],
                            wsems.at[b]).wait()

      @pl.when(g + 1 < n_groups)
      def _():
        fire((g + 1) * _DEPTH + b, b)

    return carry

  lax.fori_loop(0, n_groups, group, 0)


def _sc_gather(idx, base_weight, lora_B):
  n = idx.shape[0]
  n_per_w = n // _NW
  n_groups = n_per_w // (_STEP * _DEPTH)
  mesh = plsc.VectorSubcoreMesh(core_axis_name="c", subcore_axis_name="s")
  return pl.kernel(
      functools.partial(_sc_gather_kernel, n_per_w, n_groups),
      out_type=[
          jax.ShapeDtypeStruct((n, _DIM), jnp.float32),
          jax.ShapeDtypeStruct((n, _R), jnp.float32),
      ],
      mesh=mesh,
      scratch_types=[
          pltpu.VMEM((n_per_w,), jnp.int32),
          pltpu.VMEM((_DEPTH, _STEP, _DIM), jnp.float32),
          pltpu.VMEM((_DEPTH, _STEP, _R), jnp.float32),
          pltpu.SemaphoreType.DMA,
          pltpu.SemaphoreType.DMA((_DEPTH,)),
          pltpu.SemaphoreType.DMA((_DEPTH,)),
          pltpu.SemaphoreType.DMA((_DEPTH,)),
      ],
      compiler_params=pltpu.CompilerParams(use_tc_tiling_on_sc=False),
  )(idx, base_weight, lora_B)


def _tc_math_kernel(base_ref, lora_ref, a_ref, out_ref):
  x = base_ref[...]
  b = lora_ref[...]
  A = a_ref[...]

  max_norm = 1.0 - _EPS

  xn = jnp.sqrt(jnp.sum(x * x, axis=-1, keepdims=True))
  scale = jnp.where(xn > max_norm, max_norm / jnp.maximum(xn, 1e-15), 1.0)
  x = x * scale

  v = _SCALING * jnp.dot(b, A, preferred_element_type=jnp.float32)
  n = jnp.maximum(jnp.sqrt(jnp.sum(v * v, axis=-1, keepdims=True)), 1e-15)
  y = jnp.tanh(n) * v / n

  xy = jnp.sum(x * y, axis=-1, keepdims=True)
  x2 = jnp.sum(x * x, axis=-1, keepdims=True)
  y2 = jnp.sum(y * y, axis=-1, keepdims=True)
  num = (1.0 + 2.0 * xy + y2) * x + (1.0 - x2) * y
  den = jnp.maximum(1.0 + 2.0 * xy + x2 * y2, 1e-15)
  r = num / den

  rn = jnp.sqrt(jnp.sum(r * r, axis=-1, keepdims=True))
  rscale = jnp.where(rn > max_norm, max_norm / jnp.maximum(rn, 1e-15), 1.0)
  out_ref[...] = r * rscale


def _tc_math(gbase, glora, lora_A, blk=4096):
  n = gbase.shape[0]
  grid = (n // blk,)
  return pl.pallas_call(
      _tc_math_kernel,
      grid=grid,
      in_specs=[
          pl.BlockSpec((blk, _DIM), lambda i: (i, 0)),
          pl.BlockSpec((blk, _R), lambda i: (i, 0)),
          pl.BlockSpec((_R, _DIM), lambda i: (0, 0)),
      ],
      out_specs=pl.BlockSpec((blk, _DIM), lambda i: (i, 0)),
      out_shape=jax.ShapeDtypeStruct((n, _DIM), jnp.float32),
  )(gbase, glora, lora_A)


def kernel(indices, base_weight, lora_A, lora_B):
  bsz, seq = indices.shape
  idx = indices.reshape(-1).astype(jnp.int32)
  gbase, glora = _sc_gather(idx, base_weight, lora_B)
  out = _tc_math(gbase, glora, lora_A)
  return out.reshape(bsz, seq, _DIM)

# --- scband reference (transcript-rebuilt; emitter-appended) ---
"""Pipeline reference for scband-riemannian-lo-raembedding-65558380806438 (READ-ONLY COPY).

The authoritative reference and input builder live on the scoring server;
editing this copy changes nothing except your own understanding.
"""

import jax, jax.numpy as jnp
import numpy as np

EPS = 1e-5

def clamp_to_ball(x, eps=EPS):
    # Project points to the open unit (Poincare) ball with max norm 1-eps.
    norm = jnp.linalg.norm(x, axis=-1, keepdims=True)
    max_norm = 1.0 - eps
    scale = jnp.where(norm > max_norm, max_norm / jnp.maximum(norm, 1e-15), 1.0)
    return x * scale

def expmap0(v):
    # Exponential map at the origin of the Poincare ball (c=1).
    n = jnp.maximum(jnp.linalg.norm(v, axis=-1, keepdims=True), 1e-15)
    return jnp.tanh(n) * v / n

def mobius_add(x, y):
    # Mobius addition on the Poincare ball (c=1).
    xy = jnp.sum(x * y, axis=-1, keepdims=True)
    x2 = jnp.sum(x * x, axis=-1, keepdims=True)
    y2 = jnp.sum(y * y, axis=-1, keepdims=True)
    num = (1.0 + 2.0 * xy + y2) * x + (1.0 - x2) * y
    den = jnp.maximum(1.0 + 2.0 * xy + x2 * y2, 1e-15)
    return num / den

def p_lora_matmul(lora_A, lora_B_selected, scaling):
    # Euclidean low-rank update mapped onto the manifold via expmap0.
    v = scaling * jnp.matmul(lora_B_selected, lora_A)
    return expmap0(v)

def p_sum(x, y):
    return mobius_add(x, y)

SCALING = 0.1
NUM_EMB = 1000000
DIM = 64
R = 16

def setup_inputs(seed: int = 0) -> dict:
    key = jax.random.key(seed)
    k1, k2, k3, k4 = jax.random.split(key, 4)
    indices = jax.random.randint(k1, (4096, 50), 0, NUM_EMB, dtype=jnp.int64 if jax.config.jax_enable_x64 else jnp.int32)
    base_weight = clamp_to_ball(0.1 * jax.random.normal(k2, (NUM_EMB, DIM), dtype=jnp.float32))
    # kaiming-uniform-like init for lora_A
    bound = np.sqrt(1.0 / DIM)
    lora_A = jax.random.uniform(k3, (R, DIM), minval=-bound, maxval=bound, dtype=jnp.float32)
    lora_B = 1e-4 * jax.random.normal(k4, (NUM_EMB, R), dtype=jnp.float32)
    return {"indices": indices, "base_weight": base_weight, "lora_A": lora_A, "lora_B": lora_B}

def reference(indices, base_weight, lora_A, lora_B):
    x_hyp = jnp.take(base_weight, indices, axis=0)  # [B, L, D]
    x_hyp = clamp_to_ball(x_hyp)
    lora_B_selected = jnp.take(lora_B, indices, axis=0)  # [B, L, r]
    delta_hyp = p_lora_matmul(lora_A, lora_B_selected, SCALING)
    result = p_sum(x_hyp, delta_hyp)
    result = clamp_to_ball(result)
    return result

if __name__ == "__main__":
    import jax
    _d = setup_inputs()
    print(jax.jit(kernel)(*tuple(_d.values())))

</pallas_src>

<mosaic_0001>
#map = affine_map<(d0, d1) -> (0)>
#map1 = affine_map<(d0, d1) -> (0, 0)>
module attributes {stable_mosaic.version = 14 : i64} {
  func.func @_sc_gather_kernel(%arg0: i32, %arg1: i32, %arg2: memref<204800xi32, #tpu.memory_space<hbm>>, %arg3: memref<1000000x64xf32, #tpu.memory_space<hbm>>, %arg4: memref<1000000x16xf32, #tpu.memory_space<hbm>>, %arg5: memref<204800x64xf32, #tpu.memory_space<hbm>>, %arg6: memref<204800x16xf32, #tpu.memory_space<hbm>>, %arg7: memref<6400xi32, #tpu.memory_space<vmem>>, %arg8: memref<5x128x64xf32, #tpu.memory_space<vmem>>, %arg9: memref<5x128x16xf32, #tpu.memory_space<vmem>>, %arg10: memref<!tpu.dma_semaphore, #tpu.memory_space<semaphore_mem>>, %arg11: memref<5x!tpu.dma_semaphore, #tpu.memory_space<semaphore_mem>>, %arg12: memref<5x!tpu.dma_semaphore, #tpu.memory_space<semaphore_mem>>, %arg13: memref<5x!tpu.dma_semaphore, #tpu.memory_space<semaphore_mem>>) attributes {dimension_semantics = [#tpu.dimension_semantics<core_parallel>, #tpu.dimension_semantics<subcore_parallel>], iteration_bounds = array<i64: 2, 16>, scalar_prefetch = 0 : i64, scratch_operands = 7 : i64, tpu.core_type = #tpu.core_type<sc_vector_subcore>, window_params = [{transform_indices = #map}, {transform_indices = #map1}, {transform_indices = #map1}, {transform_indices = #map1}, {transform_indices = #map1}]} {
    %mul3A = arith.constant 2 : i32
    %mul3A_0 = arith.muli %arg1, %mul3A : i32
    %add3A = arith.addi %mul3A_0, %arg0 : i32
    %mul3A_1 = arith.constant 6400 : i32
    %mul3A_2 = arith.muli %add3A, %mul3A_1 : i32
    %dma_start3A = tpu.memref_slice %arg2[%mul3A_2] : memref<204800xi32, #tpu.memory_space<hbm>> -> memref<6400xi32, #tpu.memory_space<hbm>>
    %dma_start3A_3 = tpu.memref_slice %arg2[%mul3A_2] : memref<204800xi32, #tpu.memory_space<hbm>> -> memref<6400xi32, #tpu.memory_space<hbm>>
    tpu.enqueue_dma source(%dma_start3A_3 : memref<6400xi32, #tpu.memory_space<hbm>>) target(%arg7 : memref<6400xi32, #tpu.memory_space<vmem>>) target_semaphore(%arg10 : memref<!tpu.dma_semaphore, #tpu.memory_space<semaphore_mem>>)
    %dma_wait3A = tpu.memref_slice %arg2[%mul3A_2] : memref<204800xi32, #tpu.memory_space<hbm>> -> memref<6400xi32, #tpu.memory_space<hbm>>
    %dma_wait3A_4 = tpu.memref_slice %arg2[%mul3A_2] : memref<204800xi32, #tpu.memory_space<hbm>> -> memref<6400xi32, #tpu.memory_space<hbm>>
    tpu.wait_dma2 semaphore(%arg10 : memref<!tpu.dma_semaphore, #tpu.memory_space<semaphore_mem>>) src(%dma_wait3A_4 : memref<6400xi32, #tpu.memory_space<hbm>>) dst(%arg7 : memref<6400xi32, #tpu.memory_space<vmem>>)
    %dma_start3A_5 = arith.constant 0 : i32
    %dma_start3A_6 = arith.constant 0 : i32
    %dma_start3A_7 = arith.constant 0 : i32
    %dma_start3A_8 = arith.constant 0 : i32
    %dma_start3A_9 = tpu.memref_slice %arg8[%dma_start3A_5, %dma_start3A_7, %dma_start3A_8] : memref<5x128x64xf32, #tpu.memory_space<vmem>> -> memref<1x128x64xf32, #tpu.memory_space<vmem>>
    %dma_start3A_10 = tpu.memref_squeeze %dma_start3A_9 : memref<1x128x64xf32, #tpu.memory_space<vmem>> -> memref<128x64xf32, #tpu.memory_space<vmem>>
    %dma_start3A_11 = arith.constant 0 : i32
    %dma_start3A_12 = tpu.memref_slice %arg7[%dma_start3A_11] : memref<6400xi32, #tpu.memory_space<vmem>> -> memref<128xi32, #tpu.memory_space<vmem>>
    %dma_start3A_13 = arith.constant 0 : i32
    %dma_start3A_14 = arith.constant 0 : i32
    %dma_start3A_15 = tpu.memref_slice %arg3[%dma_start3A_13, %dma_start3A_14] : memref<1000000x64xf32, #tpu.memory_space<hbm>> -> memref<1000000x64xf32, #tpu.memory_space<hbm>>
    %dma_start3A_16 = tpu.memref_slice %arg11[%dma_start3A_6] : memref<5x!tpu.dma_semaphore, #tpu.memory_space<semaphore_mem>> -> memref<1x!tpu.dma_semaphore, #tpu.memory_space<semaphore_mem>>
    %dma_start3A_17 = tpu.memref_squeeze %dma_start3A_16 : memref<1x!tpu.dma_semaphore, #tpu.memory_space<semaphore_mem>> -> memref<!tpu.dma_semaphore, #tpu.memory_space<semaphore_mem>>
    tpu.enqueue_indirect_dma source(%dma_start3A_15 : memref<1000000x64xf32, #tpu.memory_space<hbm>>) target(%dma_start3A_10 : memref<128x64xf32, #tpu.memory_space<vmem>>) offsets(%dma_start3A_12 : memref<128xi32, #tpu.memory_space<vmem>>) semaphore(%dma_start3A_17 : memref<!tpu.dma_semaphore, #tpu.memory_space<semaphore_mem>>)
    %dma_start3A_18 = arith.constant 0 : i32
    %dma_start3A_19 = arith.constant 0 : i32
    %dma_start3A_20 = arith.constant 0 : i32
    %dma_start3A_21 = arith.constant 0 : i32
    %dma_start3A_22 = tpu.memref_slice %arg9[%dma_start3A_18, %dma_start3A_20, %dma_start3A_21] : memref<5x128x16xf32, #tpu.memory_space<vmem>> -> memref<1x128x16xf32, #tpu.memory_space<vmem>>
    %dma_start3A_23 = tpu.memref_squeeze %dma_start3A_22 : memref<1x128x16xf32, #tpu.memory_space<vmem>> -> memref<128x16xf32, #tpu.memory_space<vmem>>
    %dma_start3A_24 = arith.constant 0 : i32
    %dma_start3A_25 = tpu.memref_slice %arg7[%dma_start3A_24] : memref<6400xi32, #tpu.memory_space<vmem>> -> memref<128xi32, #tpu.memory_space<vmem>>
    %dma_start3A_26 = arith.constant 0 : i32
    %dma_start3A_27 = arith.constant 0 : i32
    %dma_start3A_28 = tpu.memref_slice %arg4[%dma_start3A_26, %dma_start3A_27] : memref<1000000x16xf32, #tpu.memory_space<hbm>> -> memref<1000000x16xf32, #tpu.memory_space<hbm>>
    %dma_start3A_29 = tpu.memref_slice %arg12[%dma_start3A_19] : memref<5x!tpu.dma_semaphore, #tpu.memory_space<semaphore_mem>> -> memref<1x!tpu.dma_semaphore, #tpu.memory_space<semaphore_mem>>
    %dma_start3A_30 = tpu.memref_squeeze %dma_start3A_29 : memref<1x!tpu.dma_semaphore, #tpu.memory_space<semaphore_mem>> -> memref<!tpu.dma_semaphore, #tpu.memory_space<semaphore_mem>>
    tpu.enqueue_indirect_dma source(%dma_start3A_28 : memref<1000000x16xf32, #tpu.memory_space<hbm>>) target(%dma_start3A_23 : memref<128x16xf32, #tpu.memory_space<vmem>>) offsets(%dma_start3A_25 : memref<128xi32, #tpu.memory_space<vmem>>) semaphore(%dma_start3A_30 : memref<!tpu.dma_semaphore, #tpu.memory_space<semaphore_mem>>)
    %dma_start3A_31 = arith.constant 1 : i32
    %dma_start3A_32 = arith.constant 1 : i32
    %dma_start3A_33 = arith.constant 0 : i32
    %dma_start3A_34 = arith.constant 0 : i32
    %dma_start3A_35 = tpu.memref_slice %arg8[%dma_start3A_31, %dma_start3A_33, %dma_start3A_34] : memref<5x128x64xf32, #tpu.memory_space<vmem>> -> memref<1x128x64xf32, #tpu.memory_space<vmem>>
    %dma_start3A_36 = tpu.memref_squeeze %dma_start3A_35 : memref<1x128x64xf32, #tpu.memory_space<vmem>> -> memref<128x64xf32, #tpu.memory_space<vmem>>
    %dma_start3A_37 = arith.constant 128 : i32
    %dma_start3A_38 = tpu.memref_slice %arg7[%dma_start3A_37] : memref<6400xi32, #tpu.memory_space<vmem>> -> memref<128xi32, #tpu.memory_space<vmem>>
    %dma_start3A_39 = arith.constant 0 : i32
    %dma_start3A_40 = arith.constant 0 : i32
    %dma_start3A_41 = tpu.memref_slice %arg3[%dma_start3A_39, %dma_start3A_40] : memref<1000000x64xf32, #tpu.memory_space<hbm>> -> memref<1000000x64xf32, #tpu.memory_space<hbm>>
    %dma_start3A_42 = tpu.memref_slice %arg11[%dma_start3A_32] : memref<5x!tpu.dma_semaphore, #tpu.memory_space<semaphore_mem>> -> memref<1x!tpu.dma_semaphore, #tpu.memory_space<semaphore_mem>>
    %dma_start3A_43 = tpu.memref_squeeze %dma_start3A_42 : memref<1x!tpu.dma_semaphore, #tpu.memory_space<semaphore_mem>> -> memref<!tpu.dma_semaphore, #tpu.memory_space<semaphore_mem>>
    tpu.enqueue_indirect_dma source(%dma_start3A_41 : memref<1000000x64xf32, #tpu.memory_space<hbm>>) target(%dma_start3A_36 : memref<128x64xf32, #tpu.memory_space<vmem>>) offsets(%dma_start3A_38 : memref<128xi32, #tpu.memory_space<vmem>>) semaphore(%dma_start3A_43 : memref<!tpu.dma_semaphore, #tpu.memory_space<semaphore_mem>>)
    %dma_start3A_44 = arith.constant 1 : i32
    %dma_start3A_45 = arith.constant 1 : i32
    %dma_start3A_46 = arith.constant 0 : i32
    %dma_start3A_47 = arith.constant 0 : i32
    %dma_start3A_48 = tpu.memref_slice %arg9[%dma_start3A_44, %dma_start3A_46, %dma_start3A_47] : memref<5x128x16xf32, #tpu.memory_space<vmem>> -> memref<1x128x16xf32, #tpu.memory_space<vmem>>
    %dma_start3A_49 = tpu.memref_squeeze %dma_start3A_48 : memref<1x128x16xf32, #tpu.memory_space<vmem>> -> memref<128x16xf32, #tpu.memory_space<vmem>>
    %dma_start3A_50 = arith.constant 128 : i32
    %dma_start3A_51 = tpu.memref_slice %arg7[%dma_start3A_50] : memref<6400xi32, #tpu.memory_space<vmem>> -> memref<128xi32, #tpu.memory_space<vmem>>
    %dma_start3A_52 = arith.constant 0 : i32
    %dma_start3A_53 = arith.constant 0 : i32
    %dma_start3A_54 = tpu.memref_slice %arg4[%dma_start3A_52, %dma_start3A_53] : memref<1000000x16xf32, #tpu.memory_space<hbm>> -> memref<1000000x16xf32, #tpu.memory_space<hbm>>
    %dma_start3A_55 = tpu.memref_slice %arg12[%dma_start3A_45] : memref<5x!tpu.dma_semaphore, #tpu.memory_space<semaphore_mem>> -> memref<1x!tpu.dma_semaphore, #tpu.memory_space<semaphore_mem>>
    %dma_start3A_56 = tpu.memref_squeeze %dma_start3A_55 : memref<1x!tpu.dma_semaphore, #tpu.memory_space<semaphore_mem>> -> memref<!tpu.dma_semaphore, #tpu.memory_space<semaphore_mem>>
    tpu.enqueue_indirect_dma source(%dma_start3A_54 : memref<1000000x16xf32, #tpu.memory_space<hbm>>) target(%dma_start3A_49 : memref<128x16xf32, #tpu.memory_space<vmem>>) offsets(%dma_start3A_51 : memref<128xi32, #tpu.memory_space<vmem>>) semaphore(%dma_start3A_56 : memref<!tpu.dma_semaphore, #tpu.memory_space<semaphore_mem>>)
    %dma_start3A_57 = arith.constant 2 : i32
    %dma_start3A_58 = arith.constant 2 : i32
    %dma_start3A_59 = arith.constant 0 : i32
    %dma_start3A_60 = arith.constant 0 : i32
    %dma_start3A_61 = tpu.memref_slice %arg8[%dma_start3A_57, %dma_start3A_59, %dma_start3A_60] : memref<5x128x64xf32, #tpu.memory_space<vmem>> -> memref<1x128x64xf32, #tpu.memory_space<vmem>>
    %dma_start3A_62 = tpu.memref_squeeze %dma_start3A_61 : memref<1x128x64xf32, #tpu.memory_space<vmem>> -> memref<128x64xf32, #tpu.memory_space<vmem>>
    %dma_start3A_63 = arith.constant 256 : i32
    %dma_start3A_64 = tpu.memref_slice %arg7[%dma_start3A_63] : memref<6400xi32, #tpu.memory_space<vmem>> -> memref<128xi32, #tpu.memory_space<vmem>>
    %dma_start3A_65 = arith.constant 0 : i32
    %dma_start3A_66 = arith.constant 0 : i32
    %dma_start3A_67 = tpu.memref_slice %arg3[%dma_start3A_65, %dma_start3A_66] : memref<1000000x64xf32, #tpu.memory_space<hbm>> -> memref<1000000x64xf32, #tpu.memory_space<hbm>>
    %dma_start3A_68 = tpu.memref_slice %arg11[%dma_start3A_58] : memref<5x!tpu.dma_semaphore, #tpu.memory_space<semaphore_mem>> -> memref<1x!tpu.dma_semaphore, #tpu.memory_space<semaphore_mem>>
    %dma_start3A_69 = tpu.memref_squeeze %dma_start3A_68 : memref<1x!tpu.dma_semaphore, #tpu.memory_space<semaphore_mem>> -> memref<!tpu.dma_semaphore, #tpu.memory_space<semaphore_mem>>
    tpu.enqueue_indirect_dma source(%dma_start3A_67 : memref<1000000x64xf32, #tpu.memory_space<hbm>>) target(%dma_start3A_62 : memref<128x64xf32, #tpu.memory_space<vmem>>) offsets(%dma_start3A_64 : memref<128xi32, #tpu.memory_space<vmem>>) semaphore(%dma_start3A_69 : memref<!tpu.dma_semaphore, #tpu.memory_space<semaphore_mem>>)
    %dma_start3A_70 = arith.constant 2 : i32
    %dma_start3A_71 = arith.constant 2 : i32
    %dma_start3A_72 = arith.constant 0 : i32
    %dma_start3A_73 = arith.constant 0 : i32
    %dma_start3A_74 = tpu.memref_slice %arg9[%dma_start3A_70, %dma_start3A_72, %dma_start3A_73] : memref<5x128x16xf32, #tpu.memory_space<vmem>> -> memref<1x128x16xf32, #tpu.memory_space<vmem>>
    %dma_start3A_75 = tpu.memref_squeeze %dma_start3A_74 : memref<1x128x16xf32, #tpu.memory_space<vmem>> -> memref<128x16xf32, #tpu.memory_space<vmem>>
    %dma_start3A_76 = arith.constant 256 : i32
    %dma_start3A_77 = tpu.memref_slice %arg7[%dma_start3A_76] : memref<6400xi32, #tpu.memory_space<vmem>> -> memref<128xi32, #tpu.memory_space<vmem>>
    %dma_start3A_78 = arith.constant 0 : i32
    %dma_start3A_79 = arith.constant 0 : i32
    %dma_start3A_80 = tpu.memref_slice %arg4[%dma_start3A_78, %dma_start3A_79] : memref<1000000x16xf32, #tpu.memory_space<hbm>> -> memref<1000000x16xf32, #tpu.memory_space<hbm>>
    %dma_start3A_81 = tpu.memref_slice %arg12[%dma_start3A_71] : memref<5x!tpu.dma_semaphore, #tpu.memory_space<semaphore_mem>> -> memref<1x!tpu.dma_semaphore, #tpu.memory_space<semaphore_mem>>
    %dma_start3A_82 = tpu.memref_squeeze %dma_start3A_81 : memref<1x!tpu.dma_semaphore, #tpu.memory_space<semaphore_mem>> -> memref<!tpu.dma_semaphore, #tpu.memory_space<semaphore_mem>>
    tpu.enqueue_indirect_dma source(%dma_start3A_80 : memref<1000000x16xf32, #tpu.memory_space<hbm>>) target(%dma_start3A_75 : memref<128x16xf32, #tpu.memory_space<vmem>>) offsets(%dma_start3A_77 : memref<128xi32, #tpu.memory_space<vmem>>) semaphore(%dma_start3A_82 : memref<!tpu.dma_semaphore, #tpu.memory_space<semaphore_mem>>)
    %dma_start3A_83 = arith.constant 3 : i32
    %dma_start3A_84 = arith.constant 3 : i32
    %dma_start3A_85 = arith.constant 0 : i32
    %dma_start3A_86 = arith.constant 0 : i32
    %dma_start3A_87 = tpu.memref_slice %arg8[%dma_start3A_83, %dma_start3A_85, %dma_start3A_86] : memref<5x128x64xf32, #tpu.memory_space<vmem>> -> memref<1x128x64xf32, #tpu.memory_space<vmem>>
    %dma_start3A_88 = tpu.memref_squeeze %dma_start3A_87 : memref<1x128x64xf32, #tpu.memory_space<vmem>> -> memref<128x64xf32, #tpu.memory_space<vmem>>
    %dma_start3A_89 = arith.constant 384 : i32
    %dma_start3A_90 = tpu.memref_slice %arg7[%dma_start3A_89] : memref<6400xi32, #tpu.memory_space<vmem>> -> memref<128xi32, #tpu.memory_space<vmem>>
    %dma_start3A_91 = arith.constant 0 : i32
    %dma_start3A_92 = arith.constant 0 : i32
    %dma_start3A_93 = tpu.memref_slice %arg3[%dma_start3A_91, %dma_start3A_92] : memref<1000000x64xf32, #tpu.memory_space<hbm>> -> memref<1000000x64xf32, #tpu.memory_space<hbm>>
    %dma_start3A_94 = tpu.memref_slice %arg11[%dma_start3A_84] : memref<5x!tpu.dma_semaphore, #tpu.memory_space<semaphore_mem>> -> memref<1x!tpu.dma_semaphore, #tpu.memory_space<semaphore_mem>>
    %dma_start3A_95 = tpu.memref_squeeze %dma_start3A_94 : memref<1x!tpu.dma_semaphore, #tpu.memory_space<semaphore_mem>> -> memref<!tpu.dma_semaphore, #tpu.memory_space<semaphore_mem>>
    tpu.enqueue_indirect_dma source(%dma_start3A_93 : memref<1000000x64xf32, #tpu.memory_space<hbm>>) target(%dma_start3A_88 : memref<128x64xf32, #tpu.memory_space<vmem>>) offsets(%dma_start3A_90 : memref<128xi32, #tpu.memory_space<vmem>>) semaphore(%dma_start3A_95 : memref<!tpu.dma_semaphore, #tpu.memory_space<semaphore_mem>>)
    %dma_start3A_96 = arith.constant 3 : i32
    %dma_start3A_97 = arith.constant 3 : i32
    %dma_start3A_98 = arith.constant 0 : i32
    %dma_start3A_99 = arith.constant 0 : i32
    %dma_start3A_100 = tpu.memref_slice %arg9[%dma_start3A_96, %dma_start3A_98, %dma_start3A_99] : memref<5x128x16xf32, #tpu.memory_space<vmem>> -> memref<1x128x16xf32, #tpu.memory_space<vmem>>
    %dma_start3A_101 = tpu.memref_squeeze %dma_start3A_100 : memref<1x128x16xf32, #tpu.memory_space<vmem>> -> memref<128x16xf32, #tpu.memory_space<vmem>>
    %dma_start3A_102 = arith.constant 384 : i32
    %dma_start3A_103 = tpu.memref_slice %arg7[%dma_start3A_102] : memref<6400xi32, #tpu.memory_space<vmem>> -> memref<128xi32, #tpu.memory_space<vmem>>
    %dma_start3A_104 = arith.constant 0 : i32
    %dma_start3A_105 = arith.constant 0 : i32
    %dma_start3A_106 = tpu.memref_slice %arg4[%dma_start3A_104, %dma_start3A_105] : memref<1000000x16xf32, #tpu.memory_space<hbm>> -> memref<1000000x16xf32, #tpu.memory_space<hbm>>
    %dma_start3A_107 = tpu.memref_slice %arg12[%dma_start3A_97] : memref<5x!tpu.dma_semaphore, #tpu.memory_space<semaphore_mem>> -> memref<1x!tpu.dma_semaphore, #tpu.memory_space<semaphore_mem>>
    %dma_start3A_108 = tpu.memref_squeeze %dma_start3A_107 : memref<1x!tpu.dma_semaphore, #tpu.memory_space<semaphore_mem>> -> memref<!tpu.dma_semaphore, #tpu.memory_space<semaphore_mem>>
    tpu.enqueue_indirect_dma source(%dma_start3A_106 : memref<1000000x16xf32, #tpu.memory_space<hbm>>) target(%dma_start3A_101 : memref<128x16xf32, #tpu.memory_space<vmem>>) offsets(%dma_start3A_103 : memref<128xi32, #tpu.memory_space<vmem>>) semaphore(%dma_start3A_108 : memref<!tpu.dma_semaphore, #tpu.memory_space<semaphore_mem>>)
    %dma_start3A_109 = arith.constant 4 : i32
    %dma_start3A_110 = arith.constant 4 : i32
    %dma_start3A_111 = arith.constant 0 : i32
    %dma_start3A_112 = arith.constant 0 : i32
    %dma_start3A_113 = tpu.memref_slice %arg8[%dma_start3A_109, %dma_start3A_111, %dma_start3A_112] : memref<5x128x64xf32, #tpu.memory_space<vmem>> -> memref<1x128x64xf32, #tpu.memory_space<vmem>>
    %dma_start3A_114 = tpu.memref_squeeze %dma_start3A_113 : memref<1x128x64xf32, #tpu.memory_space<vmem>> -> memref<128x64xf32, #tpu.memory_space<vmem>>
    %dma_start3A_115 = arith.constant 512 : i32
    %dma_start3A_116 = tpu.memref_slice %arg7[%dma_start3A_115] : memref<6400xi32, #tpu.memory_space<vmem>> -> memref<128xi32, #tpu.memory_space<vmem>>
    %dma_start3A_117 = arith.constant 0 : i32
    %dma_start3A_118 = arith.constant 0 : i32
    %dma_start3A_119 = tpu.memref_slice %arg3[%dma_start3A_117, %dma_start3A_118] : memref<1000000x64xf32, #tpu.memory_space<hbm>> -> memref<1000000x64xf32, #tpu.memory_space<hbm>>
    %dma_start3A_120 = tpu.memref_slice %arg11[%dma_start3A_110] : memref<5x!tpu.dma_semaphore, #tpu.memory_space<semaphore_mem>> -> memref<1x!tpu.dma_semaphore, #tpu.memory_space<semaphore_mem>>
    %dma_start3A_121 = tpu.memref_squeeze %dma_start3A_120 : memref<1x!tpu.dma_semaphore, #tpu.memory_space<semaphore_mem>> -> memref<!tpu.dma_semaphore, #tpu.memory_space<semaphore_mem>>
    tpu.enqueue_indirect_dma source(%dma_start3A_119 : memref<1000000x64xf32, #tpu.memory_space<hbm>>) target(%dma_start3A_114 : memref<128x64xf32, #tpu.memory_space<vmem>>) offsets(%dma_start3A_116 : memref<128xi32, #tpu.memory_space<vmem>>) semaphore(%dma_start3A_121 : memref<!tpu.dma_semaphore, #tpu.memory_space<semaphore_mem>>)
    %dma_start3A_122 = arith.constant 4 : i32
    %dma_start3A_123 = arith.constant 4 : i32
    %dma_start3A_124 = arith.constant 0 : i32
    %dma_start3A_125 = arith.constant 0 : i32
    %dma_start3A_126 = tpu.memref_slice %arg9[%dma_start3A_122, %dma_start3A_124, %dma_start3A_125] : memref<5x128x16xf32, #tpu.memory_space<vmem>> -> memref<1x128x16xf32, #tpu.memory_space<vmem>>
    %dma_start3A_127 = tpu.memref_squeeze %dma_start3A_126 : memref<1x128x16xf32, #tpu.memory_space<vmem>> -> memref<128x16xf32, #tpu.memory_space<vmem>>
    %dma_start3A_128 = arith.constant 512 : i32
    %dma_start3A_129 = tpu.memref_slice %arg7[%dma_start3A_128] : memref<6400xi32, #tpu.memory_space<vmem>> -> memref<128xi32, #tpu.memory_space<vmem>>
    %dma_start3A_130 = arith.constant 0 : i32
    %dma_start3A_131 = arith.constant 0 : i32
    %dma_start3A_132 = tpu.memref_slice %arg4[%dma_start3A_130, %dma_start3A_131] : memref<1000000x16xf32, #tpu.memory_space<hbm>> -> memref<1000000x16xf32, #tpu.memory_space<hbm>>
    %dma_start3A_133 = tpu.memref_slice %arg12[%dma_start3A_123] : memref<5x!tpu.dma_semaphore, #tpu.memory_space<semaphore_mem>> -> memref<1x!tpu.dma_semaphore, #tpu.memory_space<semaphore_mem>>
    %dma_start3A_134 = tpu.memref_squeeze %dma_start3A_133 : memref<1x!tpu.dma_semaphore, #tpu.memory_space<semaphore_mem>> -> memref<!tpu.dma_semaphore, #tpu.memory_space<semaphore_mem>>
    tpu.enqueue_indirect_dma source(%dma_start3A_132 : memref<1000000x16xf32, #tpu.memory_space<hbm>>) target(%dma_start3A_127 : memref<128x16xf32, #tpu.memory_space<vmem>>) offsets(%dma_start3A_129 : memref<128xi32, #tpu.memory_space<vmem>>) semaphore(%dma_start3A_134 : memref<!tpu.dma_semaphore, #tpu.memory_space<semaphore_mem>>)
    %scan3A = arith.constant 0 : i32
    %scan3A_135 = arith.constant 0 : i32
    %scan3A_136 = arith.constant 10 : i32
    %scan3A_137 = arith.addi %scan3A_135, %scan3A_136 : i32
    %scan3A_138 = arith.constant 1 : i32
    scf.for %scan3A_140 = %scan3A_135 to %scan3A_137 step %scan3A_138  : i32 {
      %mul3A_141 = arith.constant 5 : i32
      %mul3A_142 = arith.muli %scan3A_140, %mul3A_141 : i32
      %add3A_143 = arith.constant 0 : i32
      %add3A_144 = arith.addi %mul3A_142, %add3A_143 : i32
      %mul3A_145 = arith.constant 128 : i32
      %mul3A_146 = arith.muli %add3A_144, %mul3A_145 : i32
      %mul3A_147 = arith.constant 128 : i32
      %mul3A_148 = arith.muli %add3A_144, %mul3A_147 : i32
      %dma_wait3A_149 = arith.constant 0 : i32
      %dma_wait3A_150 = arith.constant 0 : i32
      %dma_wait3A_151 = arith.constant 0 : i32
      %dma_wait3A_152 = arith.constant 0 : i32
      %dma_wait3A_153 = tpu.memref_slice %arg8[%dma_wait3A_149, %dma_wait3A_151, %dma_wait3A_152] : memref<5x128x64xf32, #tpu.memory_space<vmem>> -> memref<1x128x64xf32, #tpu.memory_space<vmem>>
      %dma_wait3A_154 = tpu.memref_squeeze %dma_wait3A_153 : memref<1x128x64xf32, #tpu.memory_space<vmem>> -> memref<128x64xf32, #tpu.memory_space<vmem>>
      %dma_wait3A_155 = tpu.memref_slice %arg7[%mul3A_148] : memref<6400xi32, #tpu.memory_space<vmem>> -> memref<128xi32, #tpu.memory_space<vmem>>
      %dma_wait3A_156 = arith.constant 0 : i32
      %dma_wait3A_157 = arith.constant 0 : i32
      %dma_wait3A_158 = tpu.memref_slice %arg3[%dma_wait3A_156, %dma_wait3A_157] : memref<1000000x64xf32, #tpu.memory_space<hbm>> -> memref<1000000x64xf32, #tpu.memory_space<hbm>>
      %dma_wait3A_159 = tpu.memref_slice %arg11[%dma_wait3A_150] : memref<5x!tpu.dma_semaphore, #tpu.memory_space<semaphore_mem>> -> memref<1x!tpu.dma_semaphore, #tpu.memory_space<semaphore_mem>>
      %dma_wait3A_160 = tpu.memref_squeeze %dma_wait3A_159 : memref<1x!tpu.dma_semaphore, #tpu.memory_space<semaphore_mem>> -> memref<!tpu.dma_semaphore, #tpu.memory_space<semaphore_mem>>
      tpu.wait_indirect_dma semaphore(%dma_wait3A_160 : memref<!tpu.dma_semaphore, #tpu.memory_space<semaphore_mem>>) src(%dma_wait3A_158 : memref<1000000x64xf32, #tpu.memory_space<hbm>>) dst(%dma_wait3A_154 : memref<128x64xf32, #tpu.memory_space<vmem>>)
      %dma_wait3A_161 = arith.constant 0 : i32
      %dma_wait3A_162 = arith.constant 0 : i32
      %dma_wait3A_163 = arith.constant 0 : i32
      %dma_wait3A_164 = arith.constant 0 : i32
      %dma_wait3A_165 = tpu.memref_slice %arg9[%dma_wait3A_161, %dma_wait3A_163, %dma_wait3A_164] : memref<5x128x16xf32, #tpu.memory_space<vmem>> -> memref<1x128x16xf32, #tpu.memory_space<vmem>>
      %dma_wait3A_166 = tpu.memref_squeeze %dma_wait3A_165 : memref<1x128x16xf32, #tpu.memory_space<vmem>> -> memref<128x16xf32, #tpu.memory_space<vmem>>
      %dma_wait3A_167 = tpu.memref_slice %arg7[%mul3A_148] : memref<6400xi32, #tpu.memory_space<vmem>> -> memref<128xi32, #tpu.memory_space<vmem>>
      %dma_wait3A_168 = arith.constant 0 : i32
      %dma_wait3A_169 = arith.constant 0 : i32
      %dma_wait3A_170 = tpu.memref_slice %arg4[%dma_wait3A_168, %dma_wait3A_169] : memref<1000000x16xf32, #tpu.memory_space<hbm>> -> memref<1000000x16xf32, #tpu.memory_space<hbm>>
      %dma_wait3A_171 = tpu.memref_slice %arg12[%dma_wait3A_162] : memref<5x!tpu.dma_semaphore, #tpu.memory_space<semaphore_mem>> -> memref<1x!tpu.dma_semaphore, #tpu.memory_space<semaphore_mem>>
      %dma_wait3A_172 = tpu.memref_squeeze %dma_wait3A_171 : memref<1x!tpu.dma_semaphore, #tpu.memory_space<semaphore_mem>> -> memref<!tpu.dma_semaphore, #tpu.memory_space<semaphore_mem>>
      tpu.wait_indirect_dma semaphore(%dma_wait3A_172 : memref<!tpu.dma_semaphore, #tpu.memory_space<semaphore_mem>>) src(%dma_wait3A_170 : memref<1000000x16xf32, #tpu.memory_space<hbm>>) dst(%dma_wait3A_166 : memref<128x16xf32, #tpu.memory_space<vmem>>)
      %add3A_173 = arith.addi %mul3A_2, %mul3A_146 : i32
      %dma_start3A_174 = arith.constant 0 : i32
      %dma_start3A_175 = arith.constant 0 : i32
      %dma_start3A_176 = arith.constant 0 : i32
      %dma_start3A_177 = arith.constant 0 : i32
      %dma_start3A_178 = tpu.memref_slice %arg8[%dma_start3A_174, %dma_start3A_176, %dma_start3A_177] : memref<5x128x64xf32, #tpu.memory_space<vmem>> -> memref<1x128x64xf32, #tpu.memory_space<vmem>>
      %dma_start3A_179 = tpu.memref_squeeze %dma_start3A_178 : memref<1x128x64xf32, #tpu.memory_space<vmem>> -> memref<128x64xf32, #tpu.memory_space<vmem>>
      %dma_start3A_180 = arith.constant 0 : i32
      %dma_start3A_181 = tpu.memref_slice %arg5[%add3A_173, %dma_start3A_180] : memref<204800x64xf32, #tpu.memory_space<hbm>> -> memref<128x64xf32, #tpu.memory_space<hbm>>
      %dma_start3A_182 = tpu.memref_slice %arg13[%dma_start3A_175] : memref<5x!tpu.dma_semaphore, #tpu.memory_space<semaphore_mem>> -> memref<1x!tpu.dma_semaphore, #tpu.memory_space<semaphore_mem>>
      %dma_start3A_183 = tpu.memref_squeeze %dma_start3A_182 : memref<1x!tpu.dma_semaphore, #tpu.memory_space<semaphore_mem>> -> memref<!tpu.dma_semaphore, #tpu.memory_space<semaphore_mem>>
      %dma_start3A_184 = arith.constant 0 : i32
      %dma_start3A_185 = tpu.memref_slice %arg5[%add3A_173, %dma_start3A_184] : memref<204800x64xf32, #tpu.memory_space<hbm>> -> memref<128x64xf32, #tpu.memory_space<hbm>>
      %dma_start3A_186 = arith.constant 0 : i32
      %dma_start3A_187 = arith.constant 0 : i32
      %dma_start3A_188 = tpu.memref_slice %arg8[%dma_start3A_174, %dma_start3A_186, %dma_start3A_187] : memref<5x128x64xf32, #tpu.memory_space<vmem>> -> memref<1x128x64xf32, #tpu.memory_space<vmem>>
      %dma_start3A_189 = tpu.memref_squeeze %dma_start3A_188 : memref<1x128x64xf32, #tpu.memory_space<vmem>> -> memref<128x64xf32, #tpu.memory_space<vmem>>
      tpu.enqueue_dma source(%dma_start3A_189 : memref<128x64xf32, #tpu.memory_space<vmem>>) target(%dma_start3A_185 : memref<128x64xf32, #tpu.memory_space<hbm>>) target_semaphore(%dma_start3A_183 : memref<!tpu.dma_semaphore, #tpu.memory_space<semaphore_mem>>)
      %add3A_190 = arith.addi %mul3A_2, %mul3A_146 : i32
      %dma_start3A_191 = arith.constant 0 : i32
      %dma_start3A_192 = arith.constant 0 : i32
      %dma_start3A_193 = arith.constant 0 : i32
      %dma_start3A_194 = arith.constant 0 : i32
      %dma_start3A_195 = tpu.memref_slice %arg9[%dma_start3A_191, %dma_start3A_193, %dma_start3A_194] : memref<5x128x16xf32, #tpu.memory_space<vmem>> -> memref<1x128x16xf32, #tpu.memory_space<vmem>>
      %dma_start3A_196 = tpu.memref_squeeze %dma_start3A_195 : memref<1x128x16xf32, #tpu.memory_space<vmem>> -> memref<128x16xf32, #tpu.memory_space<vmem>>
      %dma_start3A_197 = arith.constant 0 : i32
      %dma_start3A_198 = tpu.memref_slice %arg6[%add3A_190, %dma_start3A_197] : memref<204800x16xf32, #tpu.memory_space<hbm>> -> memref<128x16xf32, #tpu.memory_space<hbm>>
      %dma_start3A_199 = tpu.memref_slice %arg13[%dma_start3A_192] : memref<5x!tpu.dma_semaphore, #tpu.memory_space<semaphore_mem>> -> memref<1x!tpu.dma_semaphore, #tpu.memory_space<semaphore_mem>>
      %dma_start3A_200 = tpu.memref_squeeze %dma_start3A_199 : memref<1x!tpu.dma_semaphore, #tpu.memory_space<semaphore_mem>> -> memref<!tpu.dma_semaphore, #tpu.memory_space<semaphore_mem>>
      %dma_start3A_201 = arith.constant 0 : i32
      %dma_start3A_202 = tpu.memref_slice %arg6[%add3A_190, %dma_start3A_201] : memref<204800x16xf32, #tpu.memory_space<hbm>> -> memref<128x16xf32, #tpu.memory_space<hbm>>
      %dma_start3A_203 = arith.constant 0 : i32
      %dma_start3A_204 = arith.constant 0 : i32
      %dma_start3A_205 = tpu.memref_slice %arg9[%dma_start3A_191, %dma_start3A_203, %dma_start3A_204] : memref<5x128x16xf32, #tpu.memory_space<vmem>> -> memref<1x128x16xf32, #tpu.memory_space<vmem>>
      %dma_start3A_206 = tpu.memref_squeeze %dma_start3A_205 : memref<1x128x16xf32, #tpu.memory_space<vmem>> -> memref<128x16xf32, #tpu.memory_space<vmem>>
      tpu.enqueue_dma source(%dma_start3A_206 : memref<128x16xf32, #tpu.memory_space<vmem>>) target(%dma_start3A_202 : memref<128x16xf32, #tpu.memory_space<hbm>>) target_semaphore(%dma_start3A_200 : memref<!tpu.dma_semaphore, #tpu.memory_space<semaphore_mem>>)
      %mul3A_207 = arith.constant 5 : i32
      %mul3A_208 = arith.muli %scan3A_140, %mul3A_207 : i32
      %add3A_209 = arith.constant 1 : i32
      %add3A_210 = arith.addi %mul3A_208, %add3A_209 : i32
      %mul3A_211 = arith.constant 128 : i32
      %mul3A_212 = arith.muli %add3A_210, %mul3A_211 : i32
      %mul3A_213 = arith.constant 128 : i32
      %mul3A_214 = arith.muli %add3A_210, %mul3A_213 : i32
      %dma_wait3A_215 = arith.constant 1 : i32
      %dma_wait3A_216 = arith.constant 1 : i32
      %dma_wait3A_217 = arith.constant 0 : i32
      %dma_wait3A_218 = arith.constant 0 : i32
      %dma_wait3A_219 = tpu.memref_slice %arg8[%dma_wait3A_215, %dma_wait3A_217, %dma_wait3A_218] : memref<5x128x64xf32, #tpu.memory_space<vmem>> -> memref<1x128x64xf32, #tpu.memory_space<vmem>>
      %dma_wait3A_220 = tpu.memref_squeeze %dma_wait3A_219 : memref<1x128x64xf32, #tpu.memory_space<vmem>> -> memref<128x64xf32, #tpu.memory_space<vmem>>
      %dma_wait3A_221 = tpu.memref_slice %arg7[%mul3A_214] : memref<6400xi32, #tpu.memory_space<vmem>> -> memref<128xi32, #tpu.memory_space<vmem>>
      %dma_wait3A_222 = arith.constant 0 : i32
      %dma_wait3A_223 = arith.constant 0 : i32
      %dma_wait3A_224 = tpu.memref_slice %arg3[%dma_wait3A_222, %dma_wait3A_223] : memref<1000000x64xf32, #tpu.memory_space<hbm>> -> memref<1000000x64xf32, #tpu.memory_space<hbm>>
      %dma_wait3A_225 = tpu.memref_slice %arg11[%dma_wait3A_216] : memref<5x!tpu.dma_semaphore, #tpu.memory_space<semaphore_mem>> -> memref<1x!tpu.dma_semaphore, #tpu.memory_space<semaphore_mem>>
      %dma_wait3A_226 = tpu.memref_squeeze %dma_wait3A_225 : memref<1x!tpu.dma_semaphore, #tpu.memory_space<semaphore_mem>> -> memref<!tpu.dma_semaphore, #tpu.memory_space<semaphore_mem>>
      tpu.wait_indirect_dma semaphore(%dma_wait3A_226 : memref<!tpu.dma_semaphore, #tpu.memory_space<semaphore_mem>>) src(%dma_wait3A_224 : memref<1000000x64xf32, #tpu.memory_space<hbm>>) dst(%dma_wait3A_220 : memref<128x64xf32, #tpu.memory_space<vmem>>)
      %dma_wait3A_227 = arith.constant 1 : i32
      %dma_wait3A_228 = arith.constant 1 : i32
      %dma_wait3A_229 = arith.constant 0 : i32
      %dma_wait3A_230 = arith.constant 0 : i32
      %dma_wait3A_231 = tpu.memref_slice %arg9[%dma_wait3A_227, %dma_wait3A_229, %dma_wait3A_230] : memref<5x128x16xf32, #tpu.memory_space<vmem>> -> memref<1x128x16xf32, #tpu.memory_space<vmem>>
      %dma_wait3A_232 = tpu.memref_squeeze %dma_wait3A_231 : memref<1x128x16xf32, #tpu.memory_space<vmem>> -> memref<128x16xf32, #tpu.memory_space<vmem>>
      %dma_wait3A_233 = tpu.memref_slice %arg7[%mul3A_214] : memref<6400xi32, #tpu.memory_space<vmem>> -> memref<128xi32, #tpu.memory_space<vmem>>
      %dma_wait3A_234 = arith.constant 0 : i32
      %dma_wait3A_235 = arith.constant 0 : i32
      %dma_wait3A_236 = tpu.memref_slice %arg4[%dma_wait3A_234, %dma_wait3A_235] : memref<1000000x16xf32, #tpu.memory_space<hbm>> -> memref<1000000x16xf32, #tpu.memory_space<hbm>>
      %dma_wait3A_237 = tpu.memref_slice %arg12[%dma_wait3A_228] : memref<5x!tpu.dma_semaphore, #tpu.memory_space<semaphore_mem>> -> memref<1x!tpu.dma_semaphore, #tpu.memory_space<semaphore_mem>>
      %dma_wait3A_238 = tpu.memref_squeeze %dma_wait3A_237 : memref<1x!tpu.dma_semaphore, #tpu.memory_space<semaphore_mem>> -> memref<!tpu.dma_semaphore, #tpu.memory_space<semaphore_mem>>
      tpu.wait_indirect_dma semaphore(%dma_wait3A_238 : memref<!tpu.dma_semaphore, #tpu.memory_space<semaphore_mem>>) src(%dma_wait3A_236 : memref<1000000x16xf32, #tpu.memory_space<hbm>>) dst(%dma_wait3A_232 : memref<128x16xf32, #tpu.memory_space<vmem>>)
      %add3A_239 = arith.addi %mul3A_2, %mul3A_212 : i32
      %dma_start3A_240 = arith.constant 1 : i32
      %dma_start3A_241 = arith.constant 1 : i32
      %dma_start3A_242 = arith.constant 0 : i32
      %dma_start3A_243 = arith.constant 0 : i32
      %dma_start3A_244 = tpu.memref_slice %arg8[%dma_start3A_240, %dma_start3A_242, %dma_start3A_243] : memref<5x128x64xf32, #tpu.memory_space<vmem>> -> memref<1x128x64xf32, #tpu.memory_space<vmem>>
      %dma_start3A_245 = tpu.memref_squeeze %dma_start3A_244 : memref<1x128x64xf32, #tpu.memory_space<vmem>> -> memref<128x64xf32, #tpu.memory_space<vmem>>
      %dma_start3A_246 = arith.constant 0 : i32
      %dma_start3A_247 = tpu.memref_slice %arg5[%add3A_239, %dma_start3A_246] : memref<204800x64xf32, #tpu.memory_space<hbm>> -> memref<128x64xf32, #tpu.memory_space<hbm>>
      %dma_start3A_248 = tpu.memref_slice %arg13[%dma_start3A_241] : memref<5x!tpu.dma_semaphore, #tpu.memory_space<semaphore_mem>> -> memref<1x!tpu.dma_semaphore, #tpu.memory_space<semaphore_mem>>
      %dma_start3A_249 = tpu.memref_squeeze %dma_start3A_248 : memref<1x!tpu.dma_semaphore, #tpu.memory_space<semaphore_mem>> -> memref<!tpu.dma_semaphore, #tpu.memory_space<semaphore_mem>>
      %dma_start3A_250 = arith.constant 0 : i32
      %dma_start3A_251 = tpu.memref_slice %arg5[%add3A_239, %dma_start3A_250] : memref<204800x64xf32, #tpu.memory_space<hbm>> -> memref<128x64xf32, #tpu.memory_space<hbm>>
      %dma_start3A_252 = arith.constant 0 : i32
      %dma_start3A_253 = arith.constant 0 : i32
      %dma_start3A_254 = tpu.memref_slice %arg8[%dma_start3A_240, %dma_start3A_252, %dma_start3A_253] : memref<5x128x64xf32, #tpu.memory_space<vmem>> -> memref<1x128x64xf32, #tpu.memory_space<vmem>>
      %dma_start3A_255 = tpu.memref_squeeze %dma_start3A_254 : memref<1x128x64xf32, #tpu.memory_space<vmem>> -> memref<128x64xf32, #tpu.memory_space<vmem>>
      tpu.enqueue_dma source(%dma_start3A_255 : memref<128x64xf32, #tpu.memory_space<vmem>>) target(%dma_start3A_251 : memref<128x64xf32, #tpu.memory_space<hbm>>) target_semaphore(%dma_start3A_249 : memref<!tpu.dma_semaphore, #tpu.memory_space<semaphore_mem>>)
      %add3A_256 = arith.addi %mul3A_2, %mul3A_212 : i32
      %dma_start3A_257 = arith.constant 1 : i32
      %dma_start3A_258 = arith.constant 1 : i32
      %dma_start3A_259 = arith.constant 0 : i32
      %dma_start3A_260 = arith.constant 0 : i32
      %dma_start3A_261 = tpu.memref_slice %arg9[%dma_start3A_257, %dma_start3A_259, %dma_start3A_260] : memref<5x128x16xf32, #tpu.memory_space<vmem>> -> memref<1x128x16xf32, #tpu.memory_space<vmem>>
      %dma_start3A_262 = tpu.memref_squeeze %dma_start3A_261 : memref<1x128x16xf32, #tpu.memory_space<vmem>> -> memref<128x16xf32, #tpu.memory_space<vmem>>
      %dma_start3A_263 = arith.constant 0 : i32
      %dma_start3A_264 = tpu.memref_slice %arg6[%add3A_256, %dma_start3A_263] : memref<204800x16xf32, #tpu.memory_space<hbm>> -> memref<128x16xf32, #tpu.memory_space<hbm>>
      %dma_start3A_265 = tpu.memref_slice %arg13[%dma_start3A_258] : memref<5x!tpu.dma_semaphore, #tpu.memory_space<semaphore_mem>> -> memref<1x!tpu.dma_semaphore, #tpu.memory_space<semaphore_mem>>
      %dma_start3A_266 = tpu.memref_squeeze %dma_start3A_265 : memref<1x!tpu.dma_semaphore, #tpu.memory_space<semaphore_mem>> -> memref<!tpu.dma_semaphore, #tpu.memory_space<semaphore_mem>>
      %dma_start3A_267 = arith.constant 0 : i32
      %dma_start3A_268 = tpu.memref_slice %arg6[%add3A_256, %dma_start3A_267] : memref<204800x16xf32, #tpu.memory_space<hbm>> -> memref<128x16xf32, #tpu.memory_space<hbm>>
      %dma_start3A_269 = arith.constant 0 : i32
      %dma_start3A_270 = arith.constant 0 : i32
      %dma_start3A_271 = tpu.memref_slice %arg9[%dma_start3A_257, %dma_start3A_269, %dma_start3A_270] : memref<5x128x16xf32, #tpu.memory_space<vmem>> -> memref<1x128x16xf32, #tpu.memory_space<vmem>>
      %dma_start3A_272 = tpu.memref_squeeze %dma_start3A_271 : memref<1x128x16xf32, #tpu.memory_space<vmem>> -> memref<128x16xf32, #tpu.memory_space<vmem>>
      tpu.enqueue_dma source(%dma_start3A_272 : memref<128x16xf32, #tpu.memory_space<vmem>>) target(%dma_start3A_268 : memref<128x16xf32, #tpu.memory_space<hbm>>) target_semaphore(%dma_start3A_266 : memref<!tpu.dma_semaphore, #tpu.memory_space<semaphore_mem>>)
      %mul3A_273 = arith.constant 5 : i32
      %mul3A_274 = arith.muli %scan3A_140, %mul3A_273 : i32
      %add3A_275 = arith.constant 2 : i32
      %add3A_276 = arith.addi %mul3A_274, %add3A_275 : i32
      %mul3A_277 = arith.constant 128 : i32
      %mul3A_278 = arith.muli %add3A_276, %mul3A_277 : i32
      %mul3A_279 = arith.constant 128 : i32
      %mul3A_280 = arith.muli %add3A_276, %mul3A_279 : i32
      %dma_wait3A_281 = arith.constant 2 : i32
      %dma_wait3A_282 = arith.constant 2 : i32
      %dma_wait3A_283 = arith.constant 0 : i32
      %dma_wait3A_284 = arith.constant 0 : i32
      %dma_wait3A_285 = tpu.memref_slice %arg8[%dma_wait3A_281, %dma_wait3A_283, %dma_wait3A_284] : memref<5x128x64xf32, #tpu.memory_space<vmem>> -> memref<1x128x64xf32, #tpu.memory_space<vmem>>
      %dma_wait3A_286 = tpu.memref_squeeze %dma_wait3A_285 : memref<1x128x64xf32, #tpu.memory_space<vmem>> -> memref<128x64xf32, #tpu.memory_space<vmem>>
      %dma_wait3A_287 = tpu.memref_slice %arg7[%mul3A_280] : memref<6400xi32, #tpu.memory_space<vmem>> -> memref<128xi32, #tpu.memory_space<vmem>>
      %dma_wait3A_288 = arith.constant 0 : i32
      %dma_wait3A_289 = arith.constant 0 : i32
      %dma_wait3A_290 = tpu.memref_slice %arg3[%dma_wait3A_288, %dma_wait3A_289] : memref<1000000x64xf32, #tpu.memory_space<hbm>> -> memref<1000000x64xf32, #tpu.memory_space<hbm>>
      %dma_wait3A_291 = tpu.memref_slice %arg11[%dma_wait3A_282] : memref<5x!tpu.dma_semaphore, #tpu.memory_space<semaphore_mem>> -> memref<1x!tpu.dma_semaphore, #tpu.memory_space<semaphore_mem>>
      %dma_wait3A_292 = tpu.memref_squeeze %dma_wait3A_291 : memref<1x!tpu.dma_semaphore, #tpu.memory_space<semaphore_mem>> -> memref<!tpu.dma_semaphore, #tpu.memory_space<semaphore_mem>>
      tpu.wait_indirect_dma semaphore(%dma_wait3A_292 : memref<!tpu.dma_semaphore, #tpu.memory_space<semaphore_mem>>) src(%dma_wait3A_290 : memref<1000000x64xf32, #tpu.memory_space<hbm>>) dst(%dma_wait3A_286 : memref<128x64xf32, #tpu.memory_space<vmem>>)
      %dma_wait3A_293 = arith.constant 2 : i32
      %dma_wait3A_294 = arith.constant 2 : i32
      %dma_wait3A_295 = arith.constant 0 : i32
      %dma_wait3A_296 = arith.constant 0 : i32
      %dma_wait3A_297 = tpu.memref_slice %arg9[%dma_wait3A_293, %dma_wait3A_295, %dma_wait3A_296] : memref<5x128x16xf32, #tpu.memory_space<vmem>> -> memref<1x128x16xf32, #tpu.memory_space<vmem>>
      %dma_wait3A_298 = tpu.memref_squeeze %dma_wait3A_297 : memref<1x128x16xf32, #tpu.memory_space<vmem>> -> memref<128x16xf32, #tpu.memory_space<vmem>>
      %dma_wait3A_299 = tpu.memref_slice %arg7[%mul3A_280] : memref<6400xi32, #tpu.memory_space<vmem>> -> memref<128xi32, #tpu.memory_space<vmem>>
      %dma_wait3A_300 = arith.constant 0 : i32
      %dma_wait3A_301 = arith.constant 0 : i32
      %dma_wait3A_302 = tpu.memref_slice %arg4[%dma_wait3A_300, %dma_wait3A_301] : memref<1000000x16xf32, #tpu.memory_space<hbm>> -> memref<1000000x16xf32, #tpu.memory_space<hbm>>
      %dma_wait3A_303 = tpu.memref_slice %arg12[%dma_wait3A_294] : memref<5x!tpu.dma_semaphore, #tpu.memory_space<semaphore_mem>> -> memref<1x!tpu.dma_semaphore, #tpu.memory_space<semaphore_mem>>
      %dma_wait3A_304 = tpu.memref_squeeze %dma_wait3A_303 : memref<1x!tpu.dma_semaphore, #tpu.memory_space<semaphore_mem>> -> memref<!tpu.dma_semaphore, #tpu.memory_space<semaphore_mem>>
      tpu.wait_indirect_dma semaphore(%dma_wait3A_304 : memref<!tpu.dma_semaphore, #tpu.memory_space<semaphore_mem>>) src(%dma_wait3A_302 : memref<1000000x16xf32, #tpu.memory_space<hbm>>) dst(%dma_wait3A_298 : memref<128x16xf32, #tpu.memory_space<vmem>>)
      %add3A_305 = arith.addi %mul3A_2, %mul3A_278 : i32
      %dma_start3A_306 = arith.constant 2 : i32
      %dma_start3A_307 = arith.constant 2 : i32
      %dma_start3A_308 = arith.constant 0 : i32
      %dma_start3A_309 = arith.constant 0 : i32
      %dma_start3A_310 = tpu.memref_slice %arg8[%dma_start3A_306, %dma_start3A_308, %dma_start3A_309] : memref<5x128x64xf32, #tpu.memory_space<vmem>> -> memref<1x128x64xf32, #tpu.memory_space<vmem>>
      %dma_start3A_311 = tpu.memref_squeeze %dma_start3A_310 : memref<1x128x64xf32, #tpu.memory_space<vmem>> -> memref<128x64xf32, #tpu.memory_space<vmem>>
      %dma_start3A_312 = arith.constant 0 : i32
      %dma_start3A_313 = tpu.memref_slice %arg5[%add3A_305, %dma_start3A_312] : memref<204800x64xf32, #tpu.memory_space<hbm>> -> memref<128x64xf32, #tpu.memory_space<hbm>>
      %dma_start3A_314 = tpu.memref_slice %arg13[%dma_start3A_307] : memref<5x!tpu.dma_semaphore, #tpu.memory_space<semaphore_mem>> -> memref<1x!tpu.dma_semaphore, #tpu.memory_space<semaphore_mem>>
      %dma_start3A_315 = tpu.memref_squeeze %dma_start3A_314 : memref<1x!tpu.dma_semaphore, #tpu.memory_space<semaphore_mem>> -> memref<!tpu.dma_semaphore, #tpu.memory_space<semaphore_mem>>
      %dma_start3A_316 = arith.constant 0 : i32
      %dma_start3A_317 = tpu.memref_slice %arg5[%add3A_305, %dma_start3A_316] : memref<204800x64xf32, #tpu.memory_space<hbm>> -> memref<128x64xf32, #tpu.memory_space<hbm>>
      %dma_start3A_318 = arith.constant 0 : i32
      %dma_start3A_319 = arith.constant 0 : i32
      %dma_start3A_320 = tpu.memref_slice %arg8[%dma_start3A_306, %dma_start3A_318, %dma_start3A_319] : memref<5x128x64xf32, #tpu.memory_space<vmem>> -> memref<1x128x64xf32, #tpu.memory_space<vmem>>
      %dma_start3A_321 = tpu.memref_squeeze %dma_start3A_320 : memref<1x128x64xf32, #tpu.memory_space<vmem>> -> memref<128x64xf32, #tpu.memory_space<vmem>>
      tpu.enqueue_dma source(%dma_start3A_321 : memref<128x64xf32, #tpu.memory_space<vmem>>) target(%dma_start3A_317 : memref<128x64xf32, #tpu.memory_space<hbm>>) target_semaphore(%dma_start3A_315 : memref<!tpu.dma_semaphore, #tpu.memory_space<semaphore_mem>>)
      %add3A_322 = arith.addi %mul3A_2, %mul3A_278 : i32
      %dma_start3A_323 = arith.constant 2 : i32
      %dma_start3A_324 = arith.constant 2 : i32
      %dma_start3A_325 = arith.constant 0 : i32
      %dma_start3A_326 = arith.constant 0 : i32
      %dma_start3A_327 = tpu.memref_slice %arg9[%dma_start3A_323, %dma_start3A_325, %dma_start3A_326] : memref<5x128x16xf32, #tpu.memory_space<vmem>> -> memref<1x128x16xf32, #tpu.memory_space<vmem>>
      %dma_start3A_328 = tpu.memref_squeeze %dma_start3A_327 : memref<1x128x16xf32, #tpu.memory_space<vmem>> -> memref<128x16xf32, #tpu.memory_space<vmem>>
      %dma_start3A_329 = arith.constant 0 : i32
      %dma_start3A_330 = tpu.memref_slice %arg6[%add3A_322, %dma_start3A_329] : memref<204800x16xf32, #tpu.memory_space<hbm>> -> memref<128x16xf32, #tpu.memory_space<hbm>>
      %dma_start3A_331 = tpu.memref_slice %arg13[%dma_start3A_324] : memref<5x!tpu.dma_semaphore, #tpu.memory_space<semaphore_mem>> -> memref<1x!tpu.dma_semaphore, #tpu.memory_space<semaphore_mem>>
      %dma_start3A_332 = tpu.memref_squeeze %dma_start3A_331 : memref<1x!tpu.dma_semaphore, #tpu.memory_space<semaphore_mem>> -> memref<!tpu.dma_semaphore, #tpu.memory_space<semaphore_mem>>
      %dma_start3A_333 = arith.constant 0 : i32
      %dma_start3A_334 = tpu.memref_slice %arg6[%add3A_322, %dma_start3A_333] : memref<204800x16xf32, #tpu.memory_space<hbm>> -> memref<128x16xf32, #tpu.memory_space<hbm>>
      %dma_start3A_335 = arith.constant 0 : i32
      %dma_start3A_336 = arith.constant 0 : i32
      %dma_start3A_337 = tpu.memref_slice %arg9[%dma_start3A_323, %dma_start3A_335, %dma_start3A_336] : memref<5x128x16xf32, #tpu.memory_space<vmem>> -> memref<1x128x16xf32, #tpu.memory_space<vmem>>
      %dma_start3A_338 = tpu.memref_squeeze %dma_start3A_337 : memref<1x128x16xf32, #tpu.memory_space<vmem>> -> memref<128x16xf32, #tpu.memory_space<vmem>>
      tpu.enqueue_dma source(%dma_start3A_338 : memref<128x16xf32, #tpu.memory_space<vmem>>) target(%dma_start3A_334 : memref<128x16xf32, #tpu.memory_space<hbm>>) target_semaphore(%dma_start3A_332 : memref<!tpu.dma_semaphore, #tpu.memory_space<semaphore_mem>>)
      %mul3A_339 = arith.constant 5 : i32
      %mul3A_340 = arith.muli %scan3A_140, %mul3A_339 : i32
      %add3A_341 = arith.constant 3 : i32
      %add3A_342 = arith.addi %mul3A_340, %add3A_341 : i32
      %mul3A_343 = arith.constant 128 : i32
      %mul3A_344 = arith.muli %add3A_342, %mul3A_343 : i32
      %mul3A_345 = arith.constant 128 : i32
      %mul3A_346 = arith.muli %add3A_342, %mul3A_345 : i32
      %dma_wait3A_347 = arith.constant 3 : i32
      %dma_wait3A_348 = arith.constant 3 : i32
      %dma_wait3A_349 = arith.constant 0 : i32
      %dma_wait3A_350 = arith.constant 0 : i32
      %dma_wait3A_351 = tpu.memref_slice %arg8[%dma_wait3A_347, %dma_wait3A_349, %dma_wait3A_350] : memref<5x128x64xf32, #tpu.memory_space<vmem>> -> memref<1x128x64xf32, #tpu.memory_space<vmem>>
      %dma_wait3A_352 = tpu.memref_squeeze %dma_wait3A_351 : memref<1x128x64xf32, #tpu.memory_space<vmem>> -> memref<128x64xf32, #tpu.memory_space<vmem>>
      %dma_wait3A_353 = tpu.memref_slice %arg7[%mul3A_346] : memref<6400xi32, #tpu.memory_space<vmem>> -> memref<128xi32, #tpu.memory_space<vmem>>
      %dma_wait3A_354 = arith.constant 0 : i32
      %dma_wait3A_355 = arith.constant 0 : i32
      %dma_wait3A_356 = tpu.memref_slice %arg3[%dma_wait3A_354, %dma_wait3A_355] : memref<1000000x64xf32, #tpu.memory_space<hbm>> -> memref<1000000x64xf32, #tpu.memory_space<hbm>>
      %dma_wait3A_357 = tpu.memref_slice %arg11[%dma_wait3A_348] : memref<5x!tpu.dma_semaphore, #tpu.memory_space<semaphore_mem>> -> memref<1x!tpu.dma_semaphore, #tpu.memory_space<semaphore_mem>>
      %dma_wait3A_358 = tpu.memref_squeeze %dma_wait3A_357 : memref<1x!tpu.dma_semaphore, #tpu.memory_space<semaphore_mem>> -> memref<!tpu.dma_semaphore, #tpu.memory_space<semaphore_mem>>
      tpu.wait_indirect_dma semaphore(%dma_wait3A_358 : memref<!tpu.dma_semaphore, #tpu.memory_space<semaphore_mem>>) src(%dma_wait3A_356 : memref<1000000x64xf32, #tpu.memory_space<hbm>>) dst(%dma_wait3A_352 : memref<128x64xf32, #tpu.memory_space<vmem>>)
      %dma_wait3A_359 = arith.constant 3 : i32
      %dma_wait3A_360 = arith.constant 3 : i32
      %dma_wait3A_361 = arith.constant 0 : i32
      %dma_wait3A_362 = arith.constant 0 : i32
      %dma_wait3A_363 = tpu.memref_slice %arg9[%dma_wait3A_359, %dma_wait3A_361, %dma_wait3A_362] : memref<5x128x16xf32, #tpu.memory_space<vmem>> -> memref<1x128x16xf32, #tpu.memory_space<vmem>>
      %dma_wait3A_364 = tpu.memref_squeeze %dma_wait3A_363 : memref<1x128x16xf32, #tpu.memory_space<vmem>> -> memref<128x16xf32, #tpu.memory_space<vmem>>
      %dma_wait3A_365 = tpu.memref_slice %arg7[%mul3A_346] : memref<6400xi32, #tpu.memory_space<vmem>> -> memref<128xi32, #tpu.memory_space<vmem>>
      %dma_wait3A_366 = arith.constant 0 : i32
      %dma_wait3A_367 = arith.constant 0 : i32
      %dma_wait3A_368 = tpu.memref_slice %arg4[%dma_wait3A_366, %dma_wait3A_367] : memref<1000000x16xf32, #tpu.memory_space<hbm>> -> memref<1000000x16xf32, #tpu.memory_space<hbm>>
      %dma_wait3A_369 = tpu.memref_slice %arg12[%dma_wait3A_360] : memref<5x!tpu.dma_semaphore, #tpu.memory_space<semaphore_mem>> -> memref<1x!tpu.dma_semaphore, #tpu.memory_space<semaphore_mem>>
      %dma_wait3A_370 = tpu.memref_squeeze %dma_wait3A_369 : memref<1x!tpu.dma_semaphore, #tpu.memory_space<semaphore_mem>> -> memref<!tpu.dma_semaphore, #tpu.memory_space<semaphore_mem>>
      tpu.wait_indirect_dma semaphore(%dma_wait3A_370 : memref<!tpu.dma_semaphore, #tpu.memory_space<semaphore_mem>>) src(%dma_wait3A_368 : memref<1000000x16xf32, #tpu.memory_space<hbm>>) dst(%dma_wait3A_364 : memref<128x16xf32, #tpu.memory_space<vmem>>)
      %add3A_371 = arith.addi %mul3A_2, %mul3A_344 : i32
      %dma_start3A_372 = arith.constant 3 : i32
      %dma_start3A_373 = arith.constant 3 : i32
      %dma_start3A_374 = arith.constant 0 : i32
      %dma_start3A_375 = arith.constant 0 : i32
      %dma_start3A_376 = tpu.memref_slice %arg8[%dma_start3A_372, %dma_start3A_374, %dma_start3A_375] : memref<5x128x64xf32, #tpu.memory_space<vmem>> -> memref<1x128x64xf32, #tpu.memory_space<vmem>>
      %dma_start3A_377 = tpu.memref_squeeze %dma_start3A_376 : memref<1x128x64xf32, #tpu.memory_space<vmem>> -> memref<128x64xf32, #tpu.memory_space<vmem>>
      %dma_start3A_378 = arith.constant 0 : i32
      %dma_start3A_379 = tpu.memref_slice %arg5[%add3A_371, %dma_start3A_378] : memref<204800x64xf32, #tpu.memory_space<hbm>> -> memref<128x64xf32, #tpu.memory_space<hbm>>
      %dma_start3A_380 = tpu.memref_slice %arg13[%dma_start3A_373] : memref<5x!tpu.dma_semaphore, #tpu.memory_space<semaphore_mem>> -> memref<1x!tpu.dma_semaphore, #tpu.memory_space<semaphore_mem>>
      %dma_start3A_381 = tpu.memref_squeeze %dma_start3A_380 : memref<1x!tpu.dma_semaphore, #tpu.memory_space<semaphore_mem>> -> memref<!tpu.dma_semaphore, #tpu.memory_space<semaphore_mem>>
      %dma_start3A_382 = arith.constant 0 : i32
      %dma_start3A_383 = tpu.memref_slice %arg5[%add3A_371, %dma_start3A_382] : memref<204800x64xf32, #tpu.memory_space<hbm>> -> memref<128x64xf32, #tpu.memory_space<hbm>>
      %dma_start3A_384 = arith.constant 0 : i32
      %dma_start3A_385 = arith.constant 0 : i32
      %dma_start3A_386 = tpu.memref_slice %arg8[%dma_start3A_372, %dma_start3A_384, %dma_start3A_385] : memref<5x128x64xf32, #tpu.memory_space<vmem>> -> memref<1x128x64xf32, #tpu.memory_space<vmem>>
      %dma_start3A_387 = tpu.memref_squeeze %dma_start3A_386 : memref<1x128x64xf32, #tpu.memory_space<vmem>> -> memref<128x64xf32, #tpu.memory_space<vmem>>
      tpu.enqueue_dma source(%dma_start3A_387 : memref<128x64xf32, #tpu.memory_space<vmem>>) target(%dma_start3A_383 : memref<128x64xf32, #tpu.memory_space<hbm>>) target_semaphore(%dma_start3A_381 : memref<!tpu.dma_semaphore, #tpu.memory_space<semaphore_mem>>)
      %add3A_388 = arith.addi %mul3A_2, %mul3A_344 : i32
      %dma_start3A_389 = arith.constant 3 : i32
      %dma_start3A_390 = arith.constant 3 : i32
      %dma_start3A_391 = arith.constant 0 : i32
      %dma_start3A_392 = arith.constant 0 : i32
      %dma_start3A_393 = tpu.memref_slice %arg9[%dma_start3A_389, %dma_start3A_391, %dma_start3A_392] : memref<5x128x16xf32, #tpu.memory_space<vmem>> -> memref<1x128x16xf32, #tpu.memory_space<vmem>>
      %dma_start3A_394 = tpu.memref_squeeze %dma_start3A_393 : memref<1x128x16xf32, #tpu.memory_space<vmem>> -> memref<128x16xf32, #tpu.memory_space<vmem>>
      %dma_start3A_395 = arith.constant 0 : i32
      %dma_start3A_396 = tpu.memref_slice %arg6[%add3A_388, %dma_start3A_395] : memref<204800x16xf32, #tpu.memory_space<hbm>> -> memref<128x16xf32, #tpu.memory_space<hbm>>
      %dma_start3A_397 = tpu.memref_slice %arg13[%dma_start3A_390] : memref<5x!tpu.dma_semaphore, #tpu.memory_space<semaphore_mem>> -> memref<1x!tpu.dma_semaphore, #tpu.memory_space<semaphore_mem>>
      %dma_start3A_398 = tpu.memref_squeeze %dma_start3A_397 : memref<1x!tpu.dma_semaphore, #tpu.memory_space<semaphore_mem>> -> memref<!tpu.dma_semaphore, #tpu.memory_space<semaphore_mem>>
      %dma_start3A_399 = arith.constant 0 : i32
      %dma_start3A_400 = tpu.memref_slice %arg6[%add3A_388, %dma_start3A_399] : memref<204800x16xf32, #tpu.memory_space<hbm>> -> memref<128x16xf32, #tpu.memory_space<hbm>>
      %dma_start3A_401 = arith.constant 0 : i32
      %dma_start3A_402 = arith.constant 0 : i32
      %dma_start3A_403 = tpu.memref_slice %arg9[%dma_start3A_389, %dma_start3A_401, %dma_start3A_402] : memref<5x128x16xf32, #tpu.memory_space<vmem>> -> memref<1x128x16xf32, #tpu.memory_space<vmem>>
      %dma_start3A_404 = tpu.memref_squeeze %dma_start3A_403 : memref<1x128x16xf32, #tpu.memory_space<vmem>> -> memref<128x16xf32, #tpu.memory_space<vmem>>
      tpu.enqueue_dma source(%dma_start3A_404 : memref<128x16xf32, #tpu.memory_space<vmem>>) target(%dma_start3A_400 : memref<128x16xf32, #tpu.memory_space<hbm>>) target_semaphore(%dma_start3A_398 : memref<!tpu.dma_semaphore, #tpu.memory_space<semaphore_mem>>)
      %mul3A_405 = arith.constant 5 : i32
      %mul3A_406 = arith.muli %scan3A_140, %mul3A_405 : i32
      %add3A_407 = arith.constant 4 : i32
      %add3A_408 = arith.addi %mul3A_406, %add3A_407 : i32
      %mul3A_409 = arith.constant 128 : i32
      %mul3A_410 = arith.muli %add3A_408, %mul3A_409 : i32
      %mul3A_411 = arith.constant 128 : i32
      %mul3A_412 = arith.muli %add3A_408, %mul3A_411 : i32
      %dma_wait3A_413 = arith.constant 4 : i32
      %dma_wait3A_414 = arith.constant 4 : i32
      %dma_wait3A_415 = arith.constant 0 : i32
      %dma_wait3A_416 = arith.constant 0 : i32
      %dma_wait3A_417 = tpu.memref_slice %arg8[%dma_wait3A_413, %dma_wait3A_415, %dma_wait3A_416] : memref<5x128x64xf32, #tpu.memory_space<vmem>> -> memref<1x128x64xf32, #tpu.memory_space<vmem>>
      %dma_wait3A_418 = tpu.memref_squeeze %dma_wait3A_417 : memref<1x128x64xf32, #tpu.memory_space<vmem>> -> memref<128x64xf32, #tpu.memory_space<vmem>>
      %dma_wait3A_419 = tpu.memref_slice %arg7[%mul3A_412] : memref<6400xi32, #tpu.memory_space<vmem>> -> memref<128xi32, #tpu.memory_space<vmem>>
      %dma_wait3A_420 = arith.constant 0 : i32
      %dma_wait3A_421 = arith.constant 0 : i32
      %dma_wait3A_422 = tpu.memref_slice %arg3[%dma_wait3A_420, %dma_wait3A_421] : memref<1000000x64xf32, #tpu.memory_space<hbm>> -> memref<1000000x64xf32, #tpu.memory_space<hbm>>
      %dma_wait3A_423 = tpu.memref_slice %arg11[%dma_wait3A_414] : memref<5x!tpu.dma_semaphore, #tpu.memory_space<semaphore_mem>> -> memref<1x!tpu.dma_semaphore, #tpu.memory_space<semaphore_mem>>
      %dma_wait3A_424 = tpu.memref_squeeze %dma_wait3A_423 : memref<1x!tpu.dma_semaphore, #tpu.memory_space<semaphore_mem>> -> memref<!tpu.dma_semaphore, #tpu.memory_space<semaphore_mem>>
      tpu.wait_indirect_dma semaphore(%dma_wait3A_424 : memref<!tpu.dma_semaphore, #tpu.memory_space<semaphore_mem>>) src(%dma_wait3A_422 : memref<1000000x64xf32, #tpu.memory_space<hbm>>) dst(%dma_wait3A_418 : memref<128x64xf32, #tpu.memory_space<vmem>>)
      %dma_wait3A_425 = arith.constant 4 : i32
      %dma_wait3A_426 = arith.constant 4 : i32
      %dma_wait3A_427 = arith.constant 0 : i32
      %dma_wait3A_428 = arith.constant 0 : i32
      %dma_wait3A_429 = tpu.memref_slice %arg9[%dma_wait3A_425, %dma_wait3A_427, %dma_wait3A_428] : memref<5x128x16xf32, #tpu.memory_space<vmem>> -> memref<1x128x16xf32, #tpu.memory_space<vmem>>
      %dma_wait3A_430 = tpu.memref_squeeze %dma_wait3A_429 : memref<1x128x16xf32, #tpu.memory_space<vmem>> -> memref<128x16xf32, #tpu.memory_space<vmem>>
      %dma_wait3A_431 = tpu.memref_slice %arg7[%mul3A_412] : memref<6400xi32, #tpu.memory_space<vmem>> -> memref<128xi32, #tpu.memory_space<vmem>>
      %dma_wait3A_432 = arith.constant 0 : i32
      %dma_wait3A_433 = arith.constant 0 : i32
      %dma_wait3A_434 = tpu.memref_slice %arg4[%dma_wait3A_432, %dma_wait3A_433] : memref<1000000x16xf32, #tpu.memory_space<hbm>> -> memref<1000000x16xf32, #tpu.memory_space<hbm>>
      %dma_wait3A_435 = tpu.memref_slice %arg12[%dma_wait3A_426] : memref<5x!tpu.dma_semaphore, #tpu.memory_space<semaphore_mem>> -> memref<1x!tpu.dma_semaphore, #tpu.memory_space<semaphore_mem>>
      %dma_wait3A_436 = tpu.memref_squeeze %dma_wait3A_435 : memref<1x!tpu.dma_semaphore, #tpu.memory_space<semaphore_mem>> -> memref<!tpu.dma_semaphore, #tpu.memory_space<semaphore_mem>>
      tpu.wait_indirect_dma semaphore(%dma_wait3A_436 : memref<!tpu.dma_semaphore, #tpu.memory_space<semaphore_mem>>) src(%dma_wait3A_434 : memref<1000000x16xf32, #tpu.memory_space<hbm>>) dst(%dma_wait3A_430 : memref<128x16xf32, #tpu.memory_space<vmem>>)
      %add3A_437 = arith.addi %mul3A_2, %mul3A_410 : i32
      %dma_start3A_438 = arith.constant 4 : i32
      %dma_start3A_439 = arith.constant 4 : i32
      %dma_start3A_440 = arith.constant 0 : i32
      %dma_start3A_441 = arith.constant 0 : i32
      %dma_start3A_442 = tpu.memref_slice %arg8[%dma_start3A_438, %dma_start3A_440, %dma_start3A_441] : memref<5x128x64xf32, #tpu.memory_space<vmem>> -> memref<1x128x64xf32, #tpu.memory_space<vmem>>
      %dma_start3A_443 = tpu.memref_squeeze %dma_start3A_442 : memref<1x128x64xf32, #tpu.memory_space<vmem>> -> memref<128x64xf32, #tpu.memory_space<vmem>>
      %dma_start3A_444 = arith.constant 0 : i32
      %dma_start3A_445 = tpu.memref_slice %arg5[%add3A_437, %dma_start3A_444] : memref<204800x64xf32, #tpu.memory_space<hbm>> -> memref<128x64xf32, #tpu.memory_space<hbm>>
      %dma_start3A_446 = tpu.memref_slice %arg13[%dma_start3A_439] : memref<5x!tpu.dma_semaphore, #tpu.memory_space<semaphore_mem>> -> memref<1x!tpu.dma_semaphore, #tpu.memory_space<semaphore_mem>>
      %dma_start3A_447 = tpu.memref_squeeze %dma_start3A_446 : memref<1x!tpu.dma_semaphore, #tpu.memory_space<semaphore_mem>> -> memref<!tpu.dma_semaphore, #tpu.memory_space<semaphore_mem>>
      %dma_start3A_448 = arith.constant 0 : i32
      %dma_start3A_449 = tpu.memref_slice %arg5[%add3A_437, %dma_start3A_448] : memref<204800x64xf32, #tpu.memory_space<hbm>> -> memref<128x64xf32, #tpu.memory_space<hbm>>
      %dma_start3A_450 = arith.constant 0 : i32
      %dma_start3A_451 = arith.constant 0 : i32
      %dma_start3A_452 = tpu.memref_slice %arg8[%dma_start3A_438, %dma_start3A_450, %dma_start3A_451] : memref<5x128x64xf32, #tpu.memory_space<vmem>> -> memref<1x128x64xf32, #tpu.memory_space<vmem>>
      %dma_start3A_453 = tpu.memref_squeeze %dma_start3A_452 : memref<1x128x64xf32, #tpu.memory_space<vmem>> -> memref<128x64xf32, #tpu.memory_space<vmem>>
      tpu.enqueue_dma source(%dma_start3A_453 : memref<128x64xf32, #tpu.memory_space<vmem>>) target(%dma_start3A_449 : memref<128x64xf32, #tpu.memory_space<hbm>>) target_semaphore(%dma_start3A_447 : memref<!tpu.dma_semaphore, #tpu.memory_space<semaphore_mem>>)
      %add3A_454 = arith.addi %mul3A_2, %mul3A_410 : i32
      %dma_start3A_455 = arith.constant 4 : i32
      %dma_start3A_456 = arith.constant 4 : i32
      %dma_start3A_457 = arith.constant 0 : i32
      %dma_start3A_458 = arith.constant 0 : i32
      %dma_start3A_459 = tpu.memref_slice %arg9[%dma_start3A_455, %dma_start3A_457, %dma_start3A_458] : memref<5x128x16xf32, #tpu.memory_space<vmem>> -> memref<1x128x16xf32, #tpu.memory_space<vmem>>
      %dma_start3A_460 = tpu.memref_squeeze %dma_start3A_459 : memref<1x128x16xf32, #tpu.memory_space<vmem>> -> memref<128x16xf32, #tpu.memory_space<vmem>>
      %dma_start3A_461 = arith.constant 0 : i32
      %dma_start3A_462 = tpu.memref_slice %arg6[%add3A_454, %dma_start3A_461] : memref<204800x16xf32, #tpu.memory_space<hbm>> -> memref<128x16xf32, #tpu.memory_space<hbm>>
      %dma_start3A_463 = tpu.memref_slice %arg13[%dma_start3A_456] : memref<5x!tpu.dma_semaphore, #tpu.memory_space<semaphore_mem>> -> memref<1x!tpu.dma_semaphore, #tpu.memory_space<semaphore_mem>>
      %dma_start3A_464 = tpu.memref_squeeze %dma_start3A_463 : memref<1x!tpu.dma_semaphore, #tpu.memory_space<semaphore_mem>> -> memref<!tpu.dma_semaphore, #tpu.memory_space<semaphore_mem>>
      %dma_start3A_465 = arith.constant 0 : i32
      %dma_start3A_466 = tpu.memref_slice %arg6[%add3A_454, %dma_start3A_465] : memref<204800x16xf32, #tpu.memory_space<hbm>> -> memref<128x16xf32, #tpu.memory_space<hbm>>
      %dma_start3A_467 = arith.constant 0 : i32
      %dma_start3A_468 = arith.constant 0 : i32
      %dma_start3A_469 = tpu.memref_slice %arg9[%dma_start3A_455, %dma_start3A_467, %dma_start3A_468] : memref<5x128x16xf32, #tpu.memory_space<vmem>> -> memref<1x128x16xf32, #tpu.memory_space<vmem>>
      %dma_start3A_470 = tpu.memref_squeeze %dma_start3A_469 : memref<1x128x16xf32, #tpu.memory_space<vmem>> -> memref<128x16xf32, #tpu.memory_space<vmem>>
      tpu.enqueue_dma source(%dma_start3A_470 : memref<128x16xf32, #tpu.memory_space<vmem>>) target(%dma_start3A_466 : memref<128x16xf32, #tpu.memory_space<hbm>>) target_semaphore(%dma_start3A_464 : memref<!tpu.dma_semaphore, #tpu.memory_space<semaphore_mem>>)
      %mul3A_471 = arith.constant 5 : i32
      %mul3A_472 = arith.muli %scan3A_140, %mul3A_471 : i32
      %add3A_473 = arith.constant 0 : i32
      %add3A_474 = arith.addi %mul3A_472, %add3A_473 : i32
      %mul3A_475 = arith.constant 128 : i32
      %mul3A_476 = arith.muli %add3A_474, %mul3A_475 : i32
      %add3A_477 = arith.addi %mul3A_2, %mul3A_476 : i32
      %dma_wait3A_478 = arith.constant 0 : i32
      %dma_wait3A_479 = arith.constant 0 : i32
      %dma_wait3A_480 = arith.constant 0 : i32
      %dma_wait3A_481 = arith.constant 0 : i32
      %dma_wait3A_482 = tpu.memref_slice %arg8[%dma_wait3A_478, %dma_wait3A_480, %dma_wait3A_481] : memref<5x128x64xf32, #tpu.memory_space<vmem>> -> memref<1x128x64xf32, #tpu.memory_space<vmem>>
      %dma_wait3A_483 = tpu.memref_squeeze %dma_wait3A_482 : memref<1x128x64xf32, #tpu.memory_space<vmem>> -> memref<128x64xf32, #tpu.memory_space<vmem>>
      %dma_wait3A_484 = arith.constant 0 : i32
      %dma_wait3A_485 = tpu.memref_slice %arg5[%add3A_477, %dma_wait3A_484] : memref<204800x64xf32, #tpu.memory_space<hbm>> -> memref<128x64xf32, #tpu.memory_space<hbm>>
      %dma_wait3A_486 = tpu.memref_slice %arg13[%dma_wait3A_479] : memref<5x!tpu.dma_semaphore, #tpu.memory_space<semaphore_mem>> -> memref<1x!tpu.dma_semaphore, #tpu.memory_space<semaphore_mem>>
      %dma_wait3A_487 = tpu.memref_squeeze %dma_wait3A_486 : memref<1x!tpu.dma_semaphore, #tpu.memory_space<semaphore_mem>> -> memref<!tpu.dma_semaphore, #tpu.memory_space<semaphore_mem>>
      %dma_wait3A_488 = arith.constant 0 : i32
      %dma_wait3A_489 = tpu.memref_slice %arg5[%add3A_477, %dma_wait3A_488] : memref<204800x64xf32, #tpu.memory_space<hbm>> -> memref<128x64xf32, #tpu.memory_space<hbm>>
      %dma_wait3A_490 = arith.constant 0 : i32
      %dma_wait3A_491 = arith.constant 0 : i32
      %dma_wait3A_492 = tpu.memref_slice %arg8[%dma_wait3A_478, %dma_wait3A_490, %dma_wait3A_491] : memref<5x128x64xf32, #tpu.memory_space<vmem>> -> memref<1x128x64xf32, #tpu.memory_space<vmem>>
      %dma_wait3A_493 = tpu.memref_squeeze %dma_wait3A_492 : memref<1x128x64xf32, #tpu.memory_space<vmem>> -> memref<128x64xf32, #tpu.memory_space<vmem>>
      tpu.wait_dma2 semaphore(%dma_wait3A_487 : memref<!tpu.dma_semaphore, #tpu.memory_space<semaphore_mem>>) src(%dma_wait3A_493 : memref<128x64xf32, #tpu.memory_space<vmem>>) dst(%dma_wait3A_489 : memref<128x64xf32, #tpu.memory_space<hbm>>)
      %add3A_494 = arith.addi %mul3A_2, %mul3A_476 : i32
      %dma_wait3A_495 = arith.constant 0 : i32
      %dma_wait3A_496 = arith.constant 0 : i32
      %dma_wait3A_497 = arith.constant 0 : i32
      %dma_wait3A_498 = arith.constant 0 : i32
      %dma_wait3A_499 = tpu.memref_slice %arg9[%dma_wait3A_495, %dma_wait3A_497, %dma_wait3A_498] : memref<5x128x16xf32, #tpu.memory_space<vmem>> -> memref<1x128x16xf32, #tpu.memory_space<vmem>>
      %dma_wait3A_500 = tpu.memref_squeeze %dma_wait3A_499 : memref<1x128x16xf32, #tpu.memory_space<vmem>> -> memref<128x16xf32, #tpu.memory_space<vmem>>
      %dma_wait3A_501 = arith.constant 0 : i32
      %dma_wait3A_502 = tpu.memref_slice %arg6[%add3A_494, %dma_wait3A_501] : memref<204800x16xf32, #tpu.memory_space<hbm>> -> memref<128x16xf32, #tpu.memory_space<hbm>>
      %dma_wait3A_503 = tpu.memref_slice %arg13[%dma_wait3A_496] : memref<5x!tpu.dma_semaphore, #tpu.memory_space<semaphore_mem>> -> memref<1x!tpu.dma_semaphore, #tpu.memory_space<semaphore_mem>>
      %dma_wait3A_504 = tpu.memref_squeeze %dma_wait3A_503 : memref<1x!tpu.dma_semaphore, #tpu.memory_space<semaphore_mem>> -> memref<!tpu.dma_semaphore, #tpu.memory_space<semaphore_mem>>
      %dma_wait3A_505 = arith.constant 0 : i32
      %dma_wait3A_506 = tpu.memref_slice %arg6[%add3A_494, %dma_wait3A_505] : memref<204800x16xf32, #tpu.memory_space<hbm>> -> memref<128x16xf32, #tpu.memory_space<hbm>>
      %dma_wait3A_507 = arith.constant 0 : i32
      %dma_wait3A_508 = arith.constant 0 : i32
      %dma_wait3A_509 = tpu.memref_slice %arg9[%dma_wait3A_495, %dma_wait3A_507, %dma_wait3A_508] : memref<5x128x16xf32, #tpu.memory_space<vmem>> -> memref<1x128x16xf32, #tpu.memory_space<vmem>>
      %dma_wait3A_510 = tpu.memref_squeeze %dma_wait3A_509 : memref<1x128x16xf32, #tpu.memory_space<vmem>> -> memref<128x16xf32, #tpu.memory_space<vmem>>
      tpu.wait_dma2 semaphore(%dma_wait3A_504 : memref<!tpu.dma_semaphore, #tpu.memory_space<semaphore_mem>>) src(%dma_wait3A_510 : memref<128x16xf32, #tpu.memory_space<vmem>>) dst(%dma_wait3A_506 : memref<128x16xf32, #tpu.memory_space<hbm>>)
      %add3A_511 = arith.constant 1 : i32
      %add3A_512 = arith.addi %scan3A_140, %add3A_511 : i32
      %lt3A = arith.constant 10 : i32
      %lt3A_513 = arith.cmpi slt, %add3A_512, %lt3A : i32
      %convert_element_type3A = arith.extui %lt3A_513 : i1 to i32
      %cond3A = arith.constant 0 : i32
      %cond3A_514 = arith.cmpi ne, %convert_element_type3A, %cond3A : i32
      scf.if %cond3A_514 {
        %add3A_703 = arith.constant 1 : i32
        %add3A_704 = arith.addi %scan3A_140, %add3A_703 : i32
        %mul3A_705 = arith.constant 5 : i32
        %mul3A_706 = arith.muli %add3A_704, %mul3A_705 : i32
        %add3A_707 = arith.constant 0 : i32
        %add3A_708 = arith.addi %mul3A_706, %add3A_707 : i32
        %mul3A_709 = arith.constant 128 : i32
        %mul3A_710 = arith.muli %add3A_708, %mul3A_709 : i32
        %dma_start3A_711 = arith.constant 0 : i32
        %dma_start3A_712 = arith.constant 0 : i32
        %dma_start3A_713 = arith.constant 0 : i32
        %dma_start3A_714 = arith.constant 0 : i32
        %dma_start3A_715 = tpu.memref_slice %arg8[%dma_start3A_711, %dma_start3A_713, %dma_start3A_714] : memref<5x128x64xf32, #tpu.memory_space<vmem>> -> memref<1x128x64xf32, #tpu.memory_space<vmem>>
        %dma_start3A_716 = tpu.memref_squeeze %dma_start3A_715 : memref<1x128x64xf32, #tpu.memory_space<vmem>> -> memref<128x64xf32, #tpu.memory_space<vmem>>
        %dma_start3A_717 = tpu.memref_slice %arg7[%mul3A_710] : memref<6400xi32, #tpu.memory_space<vmem>> -> memref<128xi32, #tpu.memory_space<vmem>>
        %dma_start3A_718 = arith.constant 0 : i32
        %dma_start3A_719 = arith.constant 0 : i32
        %dma_start3A_720 = tpu.memref_slice %arg3[%dma_start3A_718, %dma_start3A_719] : memref<1000000x64xf32, #tpu.memory_space<hbm>> -> memref<1000000x64xf32, #tpu.memory_space<hbm>>
        %dma_start3A_721 = tpu.memref_slice %arg11[%dma_start3A_712] : memref<5x!tpu.dma_semaphore, #tpu.memory_space<semaphore_mem>> -> memref<1x!tpu.dma_semaphore, #tpu.memory_space<semaphore_mem>>
        %dma_start3A_722 = tpu.memref_squeeze %dma_start3A_721 : memref<1x!tpu.dma_semaphore, #tpu.memory_space<semaphore_mem>> -> memref<!tpu.dma_semaphore, #tpu.memory_space<semaphore_mem>>
        tpu.enqueue_indirect_dma source(%dma_start3A_720 : memref<1000000x64xf32, #tpu.memory_space<hbm>>) target(%dma_start3A_716 : memref<128x64xf32, #tpu.memory_space<vmem>>) offsets(%dma_start3A_717 : memref<128xi32, #tpu.memory_space<vmem>>) semaphore(%dma_start3A_722 : memref<!tpu.dma_semaphore, #tpu.memory_space<semaphore_mem>>)
        %dma_start3A_723 = arith.constant 0 : i32
        %dma_start3A_724 = arith.constant 0 : i32
        %dma_start3A_725 = arith.constant 0 : i32
        %dma_start3A_726 = arith.constant 0 : i32
        %dma_start3A_727 = tpu.memref_slice %arg9[%dma_start3A_723, %dma_start3A_725, %dma_start3A_726] : memref<5x128x16xf32, #tpu.memory_space<vmem>> -> memref<1x128x16xf32, #tpu.memory_space<vmem>>
        %dma_start3A_728 = tpu.memref_squeeze %dma_start3A_727 : memref<1x128x16xf32, #tpu.memory_space<vmem>> -> memref<128x16xf32, #tpu.memory_space<vmem>>
        %dma_start3A_729 = tpu.memref_slice %arg7[%mul3A_710] : memref<6400xi32, #tpu.memory_space<vmem>> -> memref<128xi32, #tpu.memory_space<vmem>>
        %dma_start3A_730 = arith.constant 0 : i32
        %dma_start3A_731 = arith.constant 0 : i32
        %dma_start3A_732 = tpu.memref_slice %arg4[%dma_start3A_730, %dma_start3A_731] : memref<1000000x16xf32, #tpu.memory_space<hbm>> -> memref<1000000x16xf32, #tpu.memory_space<hbm>>
        %dma_start3A_733 = tpu.memref_slice %arg12[%dma_start3A_724] : memref<5x!tpu.dma_semaphore, #tpu.memory_space<semaphore_mem>> -> memref<1x!tpu.dma_semaphore, #tpu.memory_space<semaphore_mem>>
        %dma_start3A_734 = tpu.memref_squeeze %dma_start3A_733 : memref<1x!tpu.dma_semaphore, #tpu.memory_space<semaphore_mem>> -> memref<!tpu.dma_semaphore, #tpu.memory_space<semaphore_mem>>
        tpu.enqueue_indirect_dma source(%dma_start3A_732 : memref<1000000x16xf32, #tpu.memory_space<hbm>>) target(%dma_start3A_728 : memref<128x16xf32, #tpu.memory_space<vmem>>) offsets(%dma_start3A_729 : memref<128xi32, #tpu.memory_space<vmem>>) semaphore(%dma_start3A_734 : memref<!tpu.dma_semaphore, #tpu.memory_space<semaphore_mem>>)
      } else {
      }
      %mul3A_515 = arith.constant 5 : i32
      %mul3A_516 = arith.muli %scan3A_140, %mul3A_515 : i32
      %add3A_517 = arith.constant 1 : i32
      %add3A_518 = arith.addi %mul3A_516, %add3A_517 : i32
      %mul3A_519 = arith.constant 128 : i32
      %mul3A_520 = arith.muli %add3A_518, %mul3A_519 : i32
      %add3A_521 = arith.addi %mul3A_2, %mul3A_520 : i32
      %dma_wait3A_522 = arith.constant 1 : i32
      %dma_wait3A_523 = arith.constant 1 : i32
      %dma_wait3A_524 = arith.constant 0 : i32
      %dma_wait3A_525 = arith.constant 0 : i32
      %dma_wait3A_526 = tpu.memref_slice %arg8[%dma_wait3A_522, %dma_wait3A_524, %dma_wait3A_525] : memref<5x128x64xf32, #tpu.memory_space<vmem>> -> memref<1x128x64xf32, #tpu.memory_space<vmem>>
      %dma_wait3A_527 = tpu.memref_squeeze %dma_wait3A_526 : memref<1x128x64xf32, #tpu.memory_space<vmem>> -> memref<128x64xf32, #tpu.memory_space<vmem>>
      %dma_wait3A_528 = arith.constant 0 : i32
      %dma_wait3A_529 = tpu.memref_slice %arg5[%add3A_521, %dma_wait3A_528] : memref<204800x64xf32, #tpu.memory_space<hbm>> -> memref<128x64xf32, #tpu.memory_space<hbm>>
      %dma_wait3A_530 = tpu.memref_slice %arg13[%dma_wait3A_523] : memref<5x!tpu.dma_semaphore, #tpu.memory_space<semaphore_mem>> -> memref<1x!tpu.dma_semaphore, #tpu.memory_space<semaphore_mem>>
      %dma_wait3A_531 = tpu.memref_squeeze %dma_wait3A_530 : memref<1x!tpu.dma_semaphore, #tpu.memory_space<semaphore_mem>> -> memref<!tpu.dma_semaphore, #tpu.memory_space<semaphore_mem>>
      %dma_wait3A_532 = arith.constant 0 : i32
      %dma_wait3A_533 = tpu.memref_slice %arg5[%add3A_521, %dma_wait3A_532] : memref<204800x64xf32, #tpu.memory_space<hbm>> -> memref<128x64xf32, #tpu.memory_space<hbm>>
      %dma_wait3A_534 = arith.constant 0 : i32
      %dma_wait3A_535 = arith.constant 0 : i32
      %dma_wait3A_536 = tpu.memref_slice %arg8[%dma_wait3A_522, %dma_wait3A_534, %dma_wait3A_535] : memref<5x128x64xf32, #tpu.memory_space<vmem>> -> memref<1x128x64xf32, #tpu.memory_space<vmem>>
      %dma_wait3A_537 = tpu.memref_squeeze %dma_wait3A_536 : memref<1x128x64xf32, #tpu.memory_space<vmem>> -> memref<128x64xf32, #tpu.memory_space<vmem>>
      tpu.wait_dma2 semaphore(%dma_wait3A_531 : memref<!tpu.dma_semaphore, #tpu.memory_space<semaphore_mem>>) src(%dma_wait3A_537 : memref<128x64xf32, #tpu.memory_space<vmem>>) dst(%dma_wait3A_533 : memref<128x64xf32, #tpu.memory_space<hbm>>)
      %add3A_538 = arith.addi %mul3A_2, %mul3A_520 : i32
      %dma_wait3A_539 = arith.constant 1 : i32
      %dma_wait3A_540 = arith.constant 1 : i32
      %dma_wait3A_541 = arith.constant 0 : i32
      %dma_wait3A_542 = arith.constant 0 : i32
      %dma_wait3A_543 = tpu.memref_slice %arg9[%dma_wait3A_539, %dma_wait3A_541, %dma_wait3A_542] : memref<5x128x16xf32, #tpu.memory_space<vmem>> -> memref<1x128x16xf32, #tpu.memory_space<vmem>>
      %dma_wait3A_544 = tpu.memref_squeeze %dma_wait3A_543 : memref<1x128x16xf32, #tpu.memory_space<vmem>> -> memref<128x16xf32, #tpu.memory_space<vmem>>
      %dma_wait3A_545 = arith.constant 0 : i32
      %dma_wait3A_546 = tpu.memref_slice %arg6[%add3A_538, %dma_wait3A_545] : memref<204800x16xf32, #tpu.memory_space<hbm>> -> memref<128x16xf32, #tpu.memory_space<hbm>>
      %dma_wait3A_547 = tpu.memref_slice %arg13[%dma_wait3A_540] : memref<5x!tpu.dma_semaphore, #tpu.memory_space<semaphore_mem>> -> memref<1x!tpu.dma_semaphore, #tpu.memory_space<semaphore_mem>>
      %dma_wait3A_548 = tpu.memref_squeeze %dma_wait3A_547 : memref<1x!tpu.dma_semaphore, #tpu.memory_space<semaphore_mem>> -> memref<!tpu.dma_semaphore, #tpu.memory_space<semaphore_mem>>
      %dma_wait3A_549 = arith.constant 0 : i32
      %dma_wait3A_550 = tpu.memref_slice %arg6[%add3A_538, %dma_wait3A_549] : memref<204800x16xf32, #tpu.memory_space<hbm>> -> memref<128x16xf32, #tpu.memory_space<hbm>>
      %dma_wait3A_551 = arith.constant 0 : i32
      %dma_wait3A_552 = arith.constant 0 : i32
      %dma_wait3A_553 = tpu.memref_slice %arg9[%dma_wait3A_539, %dma_wait3A_551, %dma_wait3A_552] : memref<5x128x16xf32, #tpu.memory_space<vmem>> -> memref<1x128x16xf32, #tpu.memory_space<vmem>>
      %dma_wait3A_554 = tpu.memref_squeeze %dma_wait3A_553 : memref<1x128x16xf32, #tpu.memory_space<vmem>> -> memref<128x16xf32, #tpu.memory_space<vmem>>
      tpu.wait_dma2 semaphore(%dma_wait3A_548 : memref<!tpu.dma_semaphore, #tpu.memory_space<semaphore_mem>>) src(%dma_wait3A_554 : memref<128x16xf32, #tpu.memory_space<vmem>>) dst(%dma_wait3A_550 : memref<128x16xf32, #tpu.memory_space<hbm>>)
      %add3A_555 = arith.constant 1 : i32
      %add3A_556 = arith.addi %scan3A_140, %add3A_555 : i32
      %lt3A_557 = arith.constant 10 : i32
      %lt3A_558 = arith.cmpi slt, %add3A_556, %lt3A_557 : i32
      %convert_element_type3A_559 = arith.extui %lt3A_558 : i1 to i32
      %cond3A_560 = arith.constant 0 : i32
      %cond3A_561 = arith.cmpi ne, %convert_element_type3A_559, %cond3A_560 : i32
      scf.if %cond3A_561 {
        %add3A_703 = arith.constant 1 : i32
        %add3A_704 = arith.addi %scan3A_140, %add3A_703 : i32
        %mul3A_705 = arith.constant 5 : i32
        %mul3A_706 = arith.muli %add3A_704, %mul3A_705 : i32
        %add3A_707 = arith.constant 1 : i32
        %add3A_708 = arith.addi %mul3A_706, %add3A_707 : i32
        %mul3A_709 = arith.constant 128 : i32
        %mul3A_710 = arith.muli %add3A_708, %mul3A_709 : i32
        %dma_start3A_711 = arith.constant 1 : i32
        %dma_start3A_712 = arith.constant 1 : i32
        %dma_start3A_713 = arith.constant 0 : i32
        %dma_start3A_714 = arith.constant 0 : i32
        %dma_start3A_715 = tpu.memref_slice %arg8[%dma_start3A_711, %dma_start3A_713, %dma_start3A_714] : memref<5x128x64xf32, #tpu.memory_space<vmem>> -> memref<1x128x64xf32, #tpu.memory_space<vmem>>
        %dma_start3A_716 = tpu.memref_squeeze %dma_start3A_715 : memref<1x128x64xf32, #tpu.memory_space<vmem>> -> memref<128x64xf32, #tpu.memory_space<vmem>>
        %dma_start3A_717 = tpu.memref_slice %arg7[%mul3A_710] : memref<6400xi32, #tpu.memory_space<vmem>> -> memref<128xi32, #tpu.memory_space<vmem>>
        %dma_start3A_718 = arith.constant 0 : i32
        %dma_start3A_719 = arith.constant 0 : i32
        %dma_start3A_720 = tpu.memref_slice %arg3[%dma_start3A_718, %dma_start3A_719] : memref<1000000x64xf32, #tpu.memory_space<hbm>> -> memref<1000000x64xf32, #tpu.memory_space<hbm>>
        %dma_start3A_721 = tpu.memref_slice %arg11[%dma_start3A_712] : memref<5x!tpu.dma_semaphore, #tpu.memory_space<semaphore_mem>> -> memref<1x!tpu.dma_semaphore, #tpu.memory_space<semaphore_mem>>
        %dma_start3A_722 = tpu.memref_squeeze %dma_start3A_721 : memref<1x!tpu.dma_semaphore, #tpu.memory_space<semaphore_mem>> -> memref<!tpu.dma_semaphore, #tpu.memory_space<semaphore_mem>>
        tpu.enqueue_indirect_dma source(%dma_start3A_720 : memref<1000000x64xf32, #tpu.memory_space<hbm>>) target(%dma_start3A_716 : memref<128x64xf32, #tpu.memory_space<vmem>>) offsets(%dma_start3A_717 : memref<128xi32, #tpu.memory_space<vmem>>) semaphore(%dma_start3A_722 : memref<!tpu.dma_semaphore, #tpu.memory_space<semaphore_mem>>)
        %dma_start3A_723 = arith.constant 1 : i32
        %dma_start3A_724 = arith.constant 1 : i32
        %dma_start3A_725 = arith.constant 0 : i32
        %dma_start3A_726 = arith.constant 0 : i32
        %dma_start3A_727 = tpu.memref_slice %arg9[%dma_start3A_723, %dma_start3A_725, %dma_start3A_726] : memref<5x128x16xf32, #tpu.memory_space<vmem>> -> memref<1x128x16xf32, #tpu.memory_space<vmem>>
        %dma_start3A_728 = tpu.memref_squeeze %dma_start3A_727 : memref<1x128x16xf32, #tpu.memory_space<vmem>> -> memref<128x16xf32, #tpu.memory_space<vmem>>
        %dma_start3A_729 = tpu.memref_slice %arg7[%mul3A_710] : memref<6400xi32, #tpu.memory_space<vmem>> -> memref<128xi32, #tpu.memory_space<vmem>>
        %dma_start3A_730 = arith.constant 0 : i32
        %dma_start3A_731 = arith.constant 0 : i32
        %dma_start3A_732 = tpu.memref_slice %arg4[%dma_start3A_730, %dma_start3A_731] : memref<1000000x16xf32, #tpu.memory_space<hbm>> -> memref<1000000x16xf32, #tpu.memory_space<hbm>>
        %dma_start3A_733 = tpu.memref_slice %arg12[%dma_start3A_724] : memref<5x!tpu.dma_semaphore, #tpu.memory_space<semaphore_mem>> -> memref<1x!tpu.dma_semaphore, #tpu.memory_space<semaphore_mem>>
        %dma_start3A_734 = tpu.memref_squeeze %dma_start3A_733 : memref<1x!tpu.dma_semaphore, #tpu.memory_space<semaphore_mem>> -> memref<!tpu.dma_semaphore, #tpu.memory_space<semaphore_mem>>
        tpu.enqueue_indirect_dma source(%dma_start3A_732 : memref<1000000x16xf32, #tpu.memory_space<hbm>>) target(%dma_start3A_728 : memref<128x16xf32, #tpu.memory_space<vmem>>) offsets(%dma_start3A_729 : memref<128xi32, #tpu.memory_space<vmem>>) semaphore(%dma_start3A_734 : memref<!tpu.dma_semaphore, #tpu.memory_space<semaphore_mem>>)
      } else {
      }
      %mul3A_562 = arith.constant 5 : i32
      %mul3A_563 = arith.muli %scan3A_140, %mul3A_562 : i32
      %add3A_564 = arith.constant 2 : i32
      %add3A_565 = arith.addi %mul3A_563, %add3A_564 : i32
      %mul3A_566 = arith.constant 128 : i32
      %mul3A_567 = arith.muli %add3A_565, %mul3A_566 : i32
      %add3A_568 = arith.addi %mul3A_2, %mul3A_567 : i32
      %dma_wait3A_569 = arith.constant 2 : i32
      %dma_wait3A_570 = arith.constant 2 : i32
      %dma_wait3A_571 = arith.constant 0 : i32
      %dma_wait3A_572 = arith.constant 0 : i32
      %dma_wait3A_573 = tpu.memref_slice %arg8[%dma_wait3A_569, %dma_wait3A_571, %dma_wait3A_572] : memref<5x128x64xf32, #tpu.memory_space<vmem>> -> memref<1x128x64xf32, #tpu.memory_space<vmem>>
      %dma_wait3A_574 = tpu.memref_squeeze %dma_wait3A_573 : memref<1x128x64xf32, #tpu.memory_space<vmem>> -> memref<128x64xf32, #tpu.memory_space<vmem>>
      %dma_wait3A_575 = arith.constant 0 : i32
      %dma_wait3A_576 = tpu.memref_slice %arg5[%add3A_568, %dma_wait3A_575] : memref<204800x64xf32, #tpu.memory_space<hbm>> -> memref<128x64xf32, #tpu.memory_space<hbm>>
      %dma_wait3A_577 = tpu.memref_slice %arg13[%dma_wait3A_570] : memref<5x!tpu.dma_semaphore, #tpu.memory_space<semaphore_mem>> -> memref<1x!tpu.dma_semaphore, #tpu.memory_space<semaphore_mem>>
      %dma_wait3A_578 = tpu.memref_squeeze %dma_wait3A_577 : memref<1x!tpu.dma_semaphore, #tpu.memory_space<semaphore_mem>> -> memref<!tpu.dma_semaphore, #tpu.memory_space<semaphore_mem>>
      %dma_wait3A_579 = arith.constant 0 : i32
      %dma_wait3A_580 = tpu.memref_slice %arg5[%add3A_568, %dma_wait3A_579] : memref<204800x64xf32, #tpu.memory_space<hbm>> -> memref<128x64xf32, #tpu.memory_space<hbm>>
      %dma_wait3A_581 = arith.constant 0 : i32
      %dma_wait3A_582 = arith.constant 0 : i32
      %dma_wait3A_583 = tpu.memref_slice %arg8[%dma_wait3A_569, %dma_wait3A_581, %dma_wait3A_582] : memref<5x128x64xf32, #tpu.memory_space<vmem>> -> memref<1x128x64xf32, #tpu.memory_space<vmem>>
      %dma_wait3A_584 = tpu.memref_squeeze %dma_wait3A_583 : memref<1x128x64xf32, #tpu.memory_space<vmem>> -> memref<128x64xf32, #tpu.memory_space<vmem>>
      tpu.wait_dma2 semaphore(%dma_wait3A_578 : memref<!tpu.dma_semaphore, #tpu.memory_space<semaphore_mem>>) src(%dma_wait3A_584 : memref<128x64xf32, #tpu.memory_space<vmem>>) dst(%dma_wait3A_580 : memref<128x64xf32, #tpu.memory_space<hbm>>)
      %add3A_585 = arith.addi %mul3A_2, %mul3A_567 : i32
      %dma_wait3A_586 = arith.constant 2 : i32
      %dma_wait3A_587 = arith.constant 2 : i32
      %dma_wait3A_588 = arith.constant 0 : i32
      %dma_wait3A_589 = arith.constant 0 : i32
      %dma_wait3A_590 = tpu.memref_slice %arg9[%dma_wait3A_586, %dma_wait3A_588, %dma_wait3A_589] : memref<5x128x16xf32, #tpu.memory_space<vmem>> -> memref<1x128x16xf32, #tpu.memory_space<vmem>>
      %dma_wait3A_591 = tpu.memref_squeeze %dma_wait3A_590 : memref<1x128x16xf32, #tpu.memory_space<vmem>> -> memref<128x16xf32, #tpu.memory_space<vmem>>
      %dma_wait3A_592 = arith.constant 0 : i32
      %dma_wait3A_593 = tpu.memref_slice %arg6[%add3A_585, %dma_wait3A_592] : memref<204800x16xf32, #tpu.memory_space<hbm>> -> memref<128x16xf32, #tpu.memory_space<hbm>>
      %dma_wait3A_594 = tpu.memref_slice %arg13[%dma_wait3A_587] : memref<5x!tpu.dma_semaphore, #tpu.memory_space<semaphore_mem>> -> memref<1x!tpu.dma_semaphore, #tpu.memory_space<semaphore_mem>>
      %dma_wait3A_595 = tpu.memref_squeeze %dma_wait3A_594 : memref<1x!tpu.dma_semaphore, #tpu.memory_space<semaphore_mem>> -> memref<!tpu.dma_semaphore, #tpu.memory_space<semaphore_mem>>
      %dma_wait3A_596 = arith.constant 0 : i32
      %dma_wait3A_597 = tpu.memref_slice %arg6[%add3A_585, %dma_wait3A_596] : memref<204800x16xf32, #tpu.memory_space<hbm>> -> memref<128x16xf32, #tpu.memory_space<hbm>>
      %dma_wait3A_598 = arith.constant 0 : i32
      %dma_wait3A_599 = arith.constant 0 : i32
      %dma_wait3A_600 = tpu.memref_slice %arg9[%dma_wait3A_586, %dma_wait3A_598, %dma_wait3A_599] : memref<5x128x16xf32, #tpu.memory_space<vmem>> -> memref<1x128x16xf32, #tpu.memory_space<vmem>>
      %dma_wait3A_601 = tpu.memref_squeeze %dma_wait3A_600 : memref<1x128x16xf32, #tpu.memory_space<vmem>> -> memref<128x16xf32, #tpu.memory_space<vmem>>
      tpu.wait_dma2 semaphore(%dma_wait3A_595 : memref<!tpu.dma_semaphore, #tpu.memory_space<semaphore_mem>>) src(%dma_wait3A_601 : memref<128x16xf32, #tpu.memory_space<vmem>>) dst(%dma_wait3A_597 : memref<128x16xf32, #tpu.memory_space<hbm>>)
      %add3A_602 = arith.constant 1 : i32
      %add3A_603 = arith.addi %scan3A_140, %add3A_602 : i32
      %lt3A_604 = arith.constant 10 : i32
      %lt3A_605 = arith.cmpi slt, %add3A_603, %lt3A_604 : i32
      %convert_element_type3A_606 = arith.extui %lt3A_605 : i1 to i32
      %cond3A_607 = arith.constant 0 : i32
      %cond3A_608 = arith.cmpi ne, %convert_element_type3A_606, %cond3A_607 : i32
      scf.if %cond3A_608 {
        %add3A_703 = arith.constant 1 : i32
        %add3A_704 = arith.addi %scan3A_140, %add3A_703 : i32
        %mul3A_705 = arith.constant 5 : i32
        %mul3A_706 = arith.muli %add3A_704, %mul3A_705 : i32
        %add3A_707 = arith.constant 2 : i32
        %add3A_708 = arith.addi %mul3A_706, %add3A_707 : i32
        %mul3A_709 = arith.constant 128 : i32
        %mul3A_710 = arith.muli %add3A_708, %mul3A_709 : i32
        %dma_start3A_711 = arith.constant 2 : i32
        %dma_start3A_712 = arith.constant 2 : i32
        %dma_start3A_713 = arith.constant 0 : i32
        %dma_start3A_714 = arith.constant 0 : i32
        %dma_start3A_715 = tpu.memref_slice %arg8[%dma_start3A_711, %dma_start3A_713, %dma_start3A_714] : memref<5x128x64xf32, #tpu.memory_space<vmem>> -> memref<1x128x64xf32, #tpu.memory_space<vmem>>
        %dma_start3A_716 = tpu.memref_squeeze %dma_start3A_715 : memref<1x128x64xf32, #tpu.memory_space<vmem>> -> memref<128x64xf32, #tpu.memory_space<vmem>>
        %dma_start3A_717 = tpu.memref_slice %arg7[%mul3A_710] : memref<6400xi32, #tpu.memory_space<vmem>> -> memref<128xi32, #tpu.memory_space<vmem>>
        %dma_start3A_718 = arith.constant 0 : i32
        %dma_start3A_719 = arith.constant 0 : i32
        %dma_start3A_720 = tpu.memref_slice %arg3[%dma_start3A_718, %dma_start3A_719] : memref<1000000x64xf32, #tpu.memory_space<hbm>> -> memref<1000000x64xf32, #tpu.memory_space<hbm>>
        %dma_start3A_721 = tpu.memref_slice %arg11[%dma_start3A_712] : memref<5x!tpu.dma_semaphore, #tpu.memory_space<semaphore_mem>> -> memref<1x!tpu.dma_semaphore, #tpu.memory_space<semaphore_mem>>
        %dma_start3A_722 = tpu.memref_squeeze %dma_start3A_721 : memref<1x!tpu.dma_semaphore, #tpu.memory_space<semaphore_mem>> -> memref<!tpu.dma_semaphore, #tpu.memory_space<semaphore_mem>>
        tpu.enqueue_indirect_dma source(%dma_start3A_720 : memref<1000000x64xf32, #tpu.memory_space<hbm>>) target(%dma_start3A_716 : memref<128x64xf32, #tpu.memory_space<vmem>>) offsets(%dma_start3A_717 : memref<128xi32, #tpu.memory_space<vmem>>) semaphore(%dma_start3A_722 : memref<!tpu.dma_semaphore, #tpu.memory_space<semaphore_mem>>)
        %dma_start3A_723 = arith.constant 2 : i32
        %dma_start3A_724 = arith.constant 2 : i32
        %dma_start3A_725 = arith.constant 0 : i32
        %dma_start3A_726 = arith.constant 0 : i32
        %dma_start3A_727 = tpu.memref_slice %arg9[%dma_start3A_723, %dma_start3A_725, %dma_start3A_726] : memref<5x128x16xf32, #tpu.memory_space<vmem>> -> memref<1x128x16xf32, #tpu.memory_space<vmem>>
        %dma_start3A_728 = tpu.memref_squeeze %dma_start3A_727 : memref<1x128x16xf32, #tpu.memory_space<vmem>> -> memref<128x16xf32, #tpu.memory_space<vmem>>
        %dma_start3A_729 = tpu.memref_slice %arg7[%mul3A_710] : memref<6400xi32, #tpu.memory_space<vmem>> -> memref<128xi32, #tpu.memory_space<vmem>>
        %dma_start3A_730 = arith.constant 0 : i32
        %dma_start3A_731 = arith.constant 0 : i32
        %dma_start3A_732 = tpu.memref_slice %arg4[%dma_start3A_730, %dma_start3A_731] : memref<1000000x16xf32, #tpu.memory_space<hbm>> -> memref<1000000x16xf32, #tpu.memory_space<hbm>>
        %dma_start3A_733 = tpu.memref_slice %arg12[%dma_start3A_724] : memref<5x!tpu.dma_semaphore, #tpu.memory_space<semaphore_mem>> -> memref<1x!tpu.dma_semaphore, #tpu.memory_space<semaphore_mem>>
        %dma_start3A_734 = tpu.memref_squeeze %dma_start3A_733 : memref<1x!tpu.dma_semaphore, #tpu.memory_space<semaphore_mem>> -> memref<!tpu.dma_semaphore, #tpu.memory_space<semaphore_mem>>
        tpu.enqueue_indirect_dma source(%dma_start3A_732 : memref<1000000x16xf32, #tpu.memory_space<hbm>>) target(%dma_start3A_728 : memref<128x16xf32, #tpu.memory_space<vmem>>) offsets(%dma_start3A_729 : memref<128xi32, #tpu.memory_space<vmem>>) semaphore(%dma_start3A_734 : memref<!tpu.dma_semaphore, #tpu.memory_space<semaphore_mem>>)
      } else {
      }
      %mul3A_609 = arith.constant 5 : i32
      %mul3A_610 = arith.muli %scan3A_140, %mul3A_609 : i32
      %add3A_611 = arith.constant 3 : i32
      %add3A_612 = arith.addi %mul3A_610, %add3A_611 : i32
      %mul3A_613 = arith.constant 128 : i32
      %mul3A_614 = arith.muli %add3A_612, %mul3A_613 : i32
      %add3A_615 = arith.addi %mul3A_2, %mul3A_614 : i32
      %dma_wait3A_616 = arith.constant 3 : i32
      %dma_wait3A_617 = arith.constant 3 : i32
      %dma_wait3A_618 = arith.constant 0 : i32
      %dma_wait3A_619 = arith.constant 0 : i32
      %dma_wait3A_620 = tpu.memref_slice %arg8[%dma_wait3A_616, %dma_wait3A_618, %dma_wait3A_619] : memref<5x128x64xf32, #tpu.memory_space<vmem>> -> memref<1x128x64xf32, #tpu.memory_space<vmem>>
      %dma_wait3A_621 = tpu.memref_squeeze %dma_wait3A_620 : memref<1x128x64xf32, #tpu.memory_space<vmem>> -> memref<128x64xf32, #tpu.memory_space<vmem>>
      %dma_wait3A_622 = arith.constant 0 : i32
      %dma_wait3A_623 = tpu.memref_slice %arg5[%add3A_615, %dma_wait3A_622] : memref<204800x64xf32, #tpu.memory_space<hbm>> -> memref<128x64xf32, #tpu.memory_space<hbm>>
      %dma_wait3A_624 = tpu.memref_slice %arg13[%dma_wait3A_617] : memref<5x!tpu.dma_semaphore, #tpu.memory_space<semaphore_mem>> -> memref<1x!tpu.dma_semaphore, #tpu.memory_space<semaphore_mem>>
      %dma_wait3A_625 = tpu.memref_squeeze %dma_wait3A_624 : memref<1x!tpu.dma_semaphore, #tpu.memory_space<semaphore_mem>> -> memref<!tpu.dma_semaphore, #tpu.memory_space<semaphore_mem>>
      %dma_wait3A_626 = arith.constant 0 : i32
      %dma_wait3A_627 = tpu.memref_slice %arg5[%add3A_615, %dma_wait3A_626] : memref<204800x64xf32, #tpu.memory_space<hbm>> -> memref<128x64xf32, #tpu.memory_space<hbm>>
      %dma_wait3A_628 = arith.constant 0 : i32
      %dma_wait3A_629 = arith.constant 0 : i32
      %dma_wait3A_630 = tpu.memref_slice %arg8[%dma_wait3A_616, %dma_wait3A_628, %dma_wait3A_629] : memref<5x128x64xf32, #tpu.memory_space<vmem>> -> memref<1x128x64xf32, #tpu.memory_space<vmem>>
      %dma_wait3A_631 = tpu.memref_squeeze %dma_wait3A_630 : memref<1x128x64xf32, #tpu.memory_space<vmem>> -> memref<128x64xf32, #tpu.memory_space<vmem>>
      tpu.wait_dma2 semaphore(%dma_wait3A_625 : memref<!tpu.dma_semaphore, #tpu.memory_space<semaphore_mem>>) src(%dma_wait3A_631 : memref<128x64xf32, #tpu.memory_space<vmem>>) dst(%dma_wait3A_627 : memref<128x64xf32, #tpu.memory_space<hbm>>)
      %add3A_632 = arith.addi %mul3A_2, %mul3A_614 : i32
      %dma_wait3A_633 = arith.constant 3 : i32
      %dma_wait3A_634 = arith.constant 3 : i32
      %dma_wait3A_635 = arith.constant 0 : i32
      %dma_wait3A_636 = arith.constant 0 : i32
      %dma_wait3A_637 = tpu.memref_slice %arg9[%dma_wait3A_633, %dma_wait3A_635, %dma_wait3A_636] : memref<5x128x16xf32, #tpu.memory_space<vmem>> -> memref<1x128x16xf32, #tpu.memory_space<vmem>>
      %dma_wait3A_638 = tpu.memref_squeeze %dma_wait3A_637 : memref<1x128x16xf32, #tpu.memory_space<vmem>> -> memref<128x16xf32, #tpu.memory_space<vmem>>
      %dma_wait3A_639 = arith.constant 0 : i32
      %dma_wait3A_640 = tpu.memref_slice %arg6[%add3A_632, %dma_wait3A_639] : memref<204800x16xf32, #tpu.memory_space<hbm>> -> memref<128x16xf32, #tpu.memory_space<hbm>>
      %dma_wait3A_641 = tpu.memref_slice %arg13[%dma_wait3A_634] : memref<5x!tpu.dma_semaphore, #tpu.memory_space<semaphore_mem>> -> memref<1x!tpu.dma_semaphore, #tpu.memory_space<semaphore_mem>>
      %dma_wait3A_642 = tpu.memref_squeeze %dma_wait3A_641 : memref<1x!tpu.dma_semaphore, #tpu.memory_space<semaphore_mem>> -> memref<!tpu.dma_semaphore, #tpu.memory_space<semaphore_mem>>
      %dma_wait3A_643 = arith.constant 0 : i32
      %dma_wait3A_644 = tpu.memref_slice %arg6[%add3A_632, %dma_wait3A_643] : memref<204800x16xf32, #tpu.memory_space<hbm>> -> memref<128x16xf32, #tpu.memory_space<hbm>>
      %dma_wait3A_645 = arith.constant 0 : i32
      %dma_wait3A_646 = arith.constant 0 : i32
      %dma_wait3A_647 = tpu.memref_slice %arg9[%dma_wait3A_633, %dma_wait3A_645, %dma_wait3A_646] : memref<5x128x16xf32, #tpu.memory_space<vmem>> -> memref<1x128x16xf32, #tpu.memory_space<vmem>>
      %dma_wait3A_648 = tpu.memref_squeeze %dma_wait3A_647 : memref<1x128x16xf32, #tpu.memory_space<vmem>> -> memref<128x16xf32, #tpu.memory_space<vmem>>
      tpu.wait_dma2 semaphore(%dma_wait3A_642 : memref<!tpu.dma_semaphore, #tpu.memory_space<semaphore_mem>>) src(%dma_wait3A_648 : memref<128x16xf32, #tpu.memory_space<vmem>>) dst(%dma_wait3A_644 : memref<128x16xf32, #tpu.memory_space<hbm>>)
      %add3A_649 = arith.constant 1 : i32
      %add3A_650 = arith.addi %scan3A_140, %add3A_649 : i32
      %lt3A_651 = arith.constant 10 : i32
      %lt3A_652 = arith.cmpi slt, %add3A_650, %lt3A_651 : i32
      %convert_element_type3A_653 = arith.extui %lt3A_652 : i1 to i32
      %cond3A_654 = arith.constant 0 : i32
      %cond3A_655 = arith.cmpi ne, %convert_element_type3A_653, %cond3A_654 : i32
      scf.if %cond3A_655 {
        %add3A_703 = arith.constant 1 : i32
        %add3A_704 = arith.addi %scan3A_140, %add3A_703 : i32
        %mul3A_705 = arith.constant 5 : i32
        %mul3A_706 = arith.muli %add3A_704, %mul3A_705 : i32
        %add3A_707 = arith.constant 3 : i32
        %add3A_708 = arith.addi %mul3A_706, %add3A_707 : i32
        %mul3A_709 = arith.constant 128 : i32
        %mul3A_710 = arith.muli %add3A_708, %mul3A_709 : i32
        %dma_start3A_711 = arith.constant 3 : i32
        %dma_start3A_712 = arith.constant 3 : i32
        %dma_start3A_713 = arith.constant 0 : i32
        %dma_start3A_714 = arith.constant 0 : i32
        %dma_start3A_715 = tpu.memref_slice %arg8[%dma_start3A_711, %dma_start3A_713, %dma_start3A_714] : memref<5x128x64xf32, #tpu.memory_space<vmem>> -> memref<1x128x64xf32, #tpu.memory_space<vmem>>
        %dma_start3A_716 = tpu.memref_squeeze %dma_start3A_715 : memref<1x128x64xf32, #tpu.memory_space<vmem>> -> memref<128x64xf32, #tpu.memory_space<vmem>>
        %dma_start3A_717 = tpu.memref_slice %arg7[%mul3A_710] : memref<6400xi32, #tpu.memory_space<vmem>> -> memref<128xi32, #tpu.memory_space<vmem>>
        %dma_start3A_718 = arith.constant 0 : i32
        %dma_start3A_719 = arith.constant 0 : i32
        %dma_start3A_720 = tpu.memref_slice %arg3[%dma_start3A_718, %dma_start3A_719] : memref<1000000x64xf32, #tpu.memory_space<hbm>> -> memref<1000000x64xf32, #tpu.memory_space<hbm>>
        %dma_start3A_721 = tpu.memref_slice %arg11[%dma_start3A_712] : memref<5x!tpu.dma_semaphore, #tpu.memory_space<semaphore_mem>> -> memref<1x!tpu.dma_semaphore, #tpu.memory_space<semaphore_mem>>
        %dma_start3A_722 = tpu.memref_squeeze %dma_start3A_721 : memref<1x!tpu.dma_semaphore, #tpu.memory_space<semaphore_mem>> -> memref<!tpu.dma_semaphore, #tpu.memory_space<semaphore_mem>>
        tpu.enqueue_indirect_dma source(%dma_start3A_720 : memref<1000000x64xf32, #tpu.memory_space<hbm>>) target(%dma_start3A_716 : memref<128x64xf32, #tpu.memory_space<vmem>>) offsets(%dma_start3A_717 : memref<128xi32, #tpu.memory_space<vmem>>) semaphore(%dma_start3A_722 : memref<!tpu.dma_semaphore, #tpu.memory_space<semaphore_mem>>)
        %dma_start3A_723 = arith.constant 3 : i32
        %dma_start3A_724 = arith.constant 3 : i32
        %dma_start3A_725 = arith.constant 0 : i32
        %dma_start3A_726 = arith.constant 0 : i32
        %dma_start3A_727 = tpu.memref_slice %arg9[%dma_start3A_723, %dma_start3A_725, %dma_start3A_726] : memref<5x128x16xf32, #tpu.memory_space<vmem>> -> memref<1x128x16xf32, #tpu.memory_space<vmem>>
        %dma_start3A_728 = tpu.memref_squeeze %dma_start3A_727 : memref<1x128x16xf32, #tpu.memory_space<vmem>> -> memref<128x16xf32, #tpu.memory_space<vmem>>
        %dma_start3A_729 = tpu.memref_slice %arg7[%mul3A_710] : memref<6400xi32, #tpu.memory_space<vmem>> -> memref<128xi32, #tpu.memory_space<vmem>>
        %dma_start3A_730 = arith.constant 0 : i32
        %dma_start3A_731 = arith.constant 0 : i32
        %dma_start3A_732 = tpu.memref_slice %arg4[%dma_start3A_730, %dma_start3A_731] : memref<1000000x16xf32, #tpu.memory_space<hbm>> -> memref<1000000x16xf32, #tpu.memory_space<hbm>>
        %dma_start3A_733 = tpu.memref_slice %arg12[%dma_start3A_724] : memref<5x!tpu.dma_semaphore, #tpu.memory_space<semaphore_mem>> -> memref<1x!tpu.dma_semaphore, #tpu.memory_space<semaphore_mem>>
        %dma_start3A_734 = tpu.memref_squeeze %dma_start3A_733 : memref<1x!tpu.dma_semaphore, #tpu.memory_space<semaphore_mem>> -> memref<!tpu.dma_semaphore, #tpu.memory_space<semaphore_mem>>
        tpu.enqueue_indirect_dma source(%dma_start3A_732 : memref<1000000x16xf32, #tpu.memory_space<hbm>>) target(%dma_start3A_728 : memref<128x16xf32, #tpu.memory_space<vmem>>) offsets(%dma_start3A_729 : memref<128xi32, #tpu.memory_space<vmem>>) semaphore(%dma_start3A_734 : memref<!tpu.dma_semaphore, #tpu.memory_space<semaphore_mem>>)
      } else {
      }
      %mul3A_656 = arith.constant 5 : i32
      %mul3A_657 = arith.muli %scan3A_140, %mul3A_656 : i32
      %add3A_658 = arith.constant 4 : i32
      %add3A_659 = arith.addi %mul3A_657, %add3A_658 : i32
      %mul3A_660 = arith.constant 128 : i32
      %mul3A_661 = arith.muli %add3A_659, %mul3A_660 : i32
      %add3A_662 = arith.addi %mul3A_2, %mul3A_661 : i32
      %dma_wait3A_663 = arith.constant 4 : i32
      %dma_wait3A_664 = arith.constant 4 : i32
      %dma_wait3A_665 = arith.constant 0 : i32
      %dma_wait3A_666 = arith.constant 0 : i32
      %dma_wait3A_667 = tpu.memref_slice %arg8[%dma_wait3A_663, %dma_wait3A_665, %dma_wait3A_666] : memref<5x128x64xf32, #tpu.memory_space<vmem>> -> memref<1x128x64xf32, #tpu.memory_space<vmem>>
      %dma_wait3A_668 = tpu.memref_squeeze %dma_wait3A_667 : memref<1x128x64xf32, #tpu.memory_space<vmem>> -> memref<128x64xf32, #tpu.memory_space<vmem>>
      %dma_wait3A_669 = arith.constant 0 : i32
      %dma_wait3A_670 = tpu.memref_slice %arg5[%add3A_662, %dma_wait3A_669] : memref<204800x64xf32, #tpu.memory_space<hbm>> -> memref<128x64xf32, #tpu.memory_space<hbm>>
      %dma_wait3A_671 = tpu.memref_slice %arg13[%dma_wait3A_664] : memref<5x!tpu.dma_semaphore, #tpu.memory_space<semaphore_mem>> -> memref<1x!tpu.dma_semaphore, #tpu.memory_space<semaphore_mem>>
      %dma_wait3A_672 = tpu.memref_squeeze %dma_wait3A_671 : memref<1x!tpu.dma_semaphore, #tpu.memory_space<semaphore_mem>> -> memref<!tpu.dma_semaphore, #tpu.memory_space<semaphore_mem>>
      %dma_wait3A_673 = arith.constant 0 : i32
      %dma_wait3A_674 = tpu.memref_slice %arg5[%add3A_662, %dma_wait3A_673] : memref<204800x64xf32, #tpu.memory_space<hbm>> -> memref<128x64xf32, #tpu.memory_space<hbm>>
      %dma_wait3A_675 = arith.constant 0 : i32
      %dma_wait3A_676 = arith.constant 0 : i32
      %dma_wait3A_677 = tpu.memref_slice %arg8[%dma_wait3A_663, %dma_wait3A_675, %dma_wait3A_676] : memref<5x128x64xf32, #tpu.memory_space<vmem>> -> memref<1x128x64xf32, #tpu.memory_space<vmem>>
      %dma_wait3A_678 = tpu.memref_squeeze %dma_wait3A_677 : memref<1x128x64xf32, #tpu.memory_space<vmem>> -> memref<128x64xf32, #tpu.memory_space<vmem>>
      tpu.wait_dma2 semaphore(%dma_wait3A_672 : memref<!tpu.dma_semaphore, #tpu.memory_space<semaphore_mem>>) src(%dma_wait3A_678 : memref<128x64xf32, #tpu.memory_space<vmem>>) dst(%dma_wait3A_674 : memref<128x64xf32, #tpu.memory_space<hbm>>)
      %add3A_679 = arith.addi %mul3A_2, %mul3A_661 : i32
      %dma_wait3A_680 = arith.constant 4 : i32
      %dma_wait3A_681 = arith.constant 4 : i32
      %dma_wait3A_682 = arith.constant 0 : i32
      %dma_wait3A_683 = arith.constant 0 : i32
      %dma_wait3A_684 = tpu.memref_slice %arg9[%dma_wait3A_680, %dma_wait3A_682, %dma_wait3A_683] : memref<5x128x16xf32, #tpu.memory_space<vmem>> -> memref<1x128x16xf32, #tpu.memory_space<vmem>>
      %dma_wait3A_685 = tpu.memref_squeeze %dma_wait3A_684 : memref<1x128x16xf32, #tpu.memory_space<vmem>> -> memref<128x16xf32, #tpu.memory_space<vmem>>
      %dma_wait3A_686 = arith.constant 0 : i32
      %dma_wait3A_687 = tpu.memref_slice %arg6[%add3A_679, %dma_wait3A_686] : memref<204800x16xf32, #tpu.memory_space<hbm>> -> memref<128x16xf32, #tpu.memory_space<hbm>>
      %dma_wait3A_688 = tpu.memref_slice %arg13[%dma_wait3A_681] : memref<5x!tpu.dma_semaphore, #tpu.memory_space<semaphore_mem>> -> memref<1x!tpu.dma_semaphore, #tpu.memory_space<semaphore_mem>>
      %dma_wait3A_689 = tpu.memref_squeeze %dma_wait3A_688 : memref<1x!tpu.dma_semaphore, #tpu.memory_space<semaphore_mem>> -> memref<!tpu.dma_semaphore, #tpu.memory_space<semaphore_mem>>
      %dma_wait3A_690 = arith.constant 0 : i32
      %dma_wait3A_691 = tpu.memref_slice %arg6[%add3A_679, %dma_wait3A_690] : memref<204800x16xf32, #tpu.memory_space<hbm>> -> memref<128x16xf32, #tpu.memory_space<hbm>>
      %dma_wait3A_692 = arith.constant 0 : i32
      %dma_wait3A_693 = arith.constant 0 : i32
      %dma_wait3A_694 = tpu.memref_slice %arg9[%dma_wait3A_680, %dma_wait3A_692, %dma_wait3A_693] : memref<5x128x16xf32, #tpu.memory_space<vmem>> -> memref<1x128x16xf32, #tpu.memory_space<vmem>>
      %dma_wait3A_695 = tpu.memref_squeeze %dma_wait3A_694 : memref<1x128x16xf32, #tpu.memory_space<vmem>> -> memref<128x16xf32, #tpu.memory_space<vmem>>
      tpu.wait_dma2 semaphore(%dma_wait3A_689 : memref<!tpu.dma_semaphore, #tpu.memory_space<semaphore_mem>>) src(%dma_wait3A_695 : memref<128x16xf32, #tpu.memory_space<vmem>>) dst(%dma_wait3A_691 : memref<128x16xf32, #tpu.memory_space<hbm>>)
      %add3A_696 = arith.constant 1 : i32
      %add3A_697 = arith.addi %scan3A_140, %add3A_696 : i32
      %lt3A_698 = arith.constant 10 : i32
      %lt3A_699 = arith.cmpi slt, %add3A_697, %lt3A_698 : i32
      %convert_element_type3A_700 = arith.extui %lt3A_699 : i1 to i32
      %cond3A_701 = arith.constant 0 : i32
      %cond3A_702 = arith.cmpi ne, %convert_element_type3A_700, %cond3A_701 : i32
      scf.if %cond3A_702 {
        %add3A_703 = arith.constant 1 : i32
        %add3A_704 = arith.addi %scan3A_140, %add3A_703 : i32
        %mul3A_705 = arith.constant 5 : i32
        %mul3A_706 = arith.muli %add3A_704, %mul3A_705 : i32
        %add3A_707 = arith.constant 4 : i32
        %add3A_708 = arith.addi %mul3A_706, %add3A_707 : i32
        %mul3A_709 = arith.constant 128 : i32
        %mul3A_710 = arith.muli %add3A_708, %mul3A_709 : i32
        %dma_start3A_711 = arith.constant 4 : i32
        %dma_start3A_712 = arith.constant 4 : i32
        %dma_start3A_713 = arith.constant 0 : i32
        %dma_start3A_714 = arith.constant 0 : i32
        %dma_start3A_715 = tpu.memref_slice %arg8[%dma_start3A_711, %dma_start3A_713, %dma_start3A_714] : memref<5x128x64xf32, #tpu.memory_space<vmem>> -> memref<1x128x64xf32, #tpu.memory_space<vmem>>
        %dma_start3A_716 = tpu.memref_squeeze %dma_start3A_715 : memref<1x128x64xf32, #tpu.memory_space<vmem>> -> memref<128x64xf32, #tpu.memory_space<vmem>>
        %dma_start3A_717 = tpu.memref_slice %arg7[%mul3A_710] : memref<6400xi32, #tpu.memory_space<vmem>> -> memref<128xi32, #tpu.memory_space<vmem>>
        %dma_start3A_718 = arith.constant 0 : i32
        %dma_start3A_719 = arith.constant 0 : i32
        %dma_start3A_720 = tpu.memref_slice %arg3[%dma_start3A_718, %dma_start3A_719] : memref<1000000x64xf32, #tpu.memory_space<hbm>> -> memref<1000000x64xf32, #tpu.memory_space<hbm>>
        %dma_start3A_721 = tpu.memref_slice %arg11[%dma_start3A_712] : memref<5x!tpu.dma_semaphore, #tpu.memory_space<semaphore_mem>> -> memref<1x!tpu.dma_semaphore, #tpu.memory_space<semaphore_mem>>
        %dma_start3A_722 = tpu.memref_squeeze %dma_start3A_721 : memref<1x!tpu.dma_semaphore, #tpu.memory_space<semaphore_mem>> -> memref<!tpu.dma_semaphore, #tpu.memory_space<semaphore_mem>>
        tpu.enqueue_indirect_dma source(%dma_start3A_720 : memref<1000000x64xf32, #tpu.memory_space<hbm>>) target(%dma_start3A_716 : memref<128x64xf32, #tpu.memory_space<vmem>>) offsets(%dma_start3A_717 : memref<128xi32, #tpu.memory_space<vmem>>) semaphore(%dma_start3A_722 : memref<!tpu.dma_semaphore, #tpu.memory_space<semaphore_mem>>)
        %dma_start3A_723 = arith.constant 4 : i32
        %dma_start3A_724 = arith.constant 4 : i32
        %dma_start3A_725 = arith.constant 0 : i32
        %dma_start3A_726 = arith.constant 0 : i32
        %dma_start3A_727 = tpu.memref_slice %arg9[%dma_start3A_723, %dma_start3A_725, %dma_start3A_726] : memref<5x128x16xf32, #tpu.memory_space<vmem>> -> memref<1x128x16xf32, #tpu.memory_space<vmem>>
        %dma_start3A_728 = tpu.memref_squeeze %dma_start3A_727 : memref<1x128x16xf32, #tpu.memory_space<vmem>> -> memref<128x16xf32, #tpu.memory_space<vmem>>
        %dma_start3A_729 = tpu.memref_slice %arg7[%mul3A_710] : memref<6400xi32, #tpu.memory_space<vmem>> -> memref<128xi32, #tpu.memory_space<vmem>>
        %dma_start3A_730 = arith.constant 0 : i32
        %dma_start3A_731 = arith.constant 0 : i32
        %dma_start3A_732 = tpu.memref_slice %arg4[%dma_start3A_730, %dma_start3A_731] : memref<1000000x16xf32, #tpu.memory_space<hbm>> -> memref<1000000x16xf32, #tpu.memory_space<hbm>>
        %dma_start3A_733 = tpu.memref_slice %arg12[%dma_start3A_724] : memref<5x!tpu.dma_semaphore, #tpu.memory_space<semaphore_mem>> -> memref<1x!tpu.dma_semaphore, #tpu.memory_space<semaphore_mem>>
        %dma_start3A_734 = tpu.memref_squeeze %dma_start3A_733 : memref<1x!tpu.dma_semaphore, #tpu.memory_space<semaphore_mem>> -> memref<!tpu.dma_semaphore, #tpu.memory_space<semaphore_mem>>
        tpu.enqueue_indirect_dma source(%dma_start3A_732 : memref<1000000x16xf32, #tpu.memory_space<hbm>>) target(%dma_start3A_728 : memref<128x16xf32, #tpu.memory_space<vmem>>) offsets(%dma_start3A_729 : memref<128xi32, #tpu.memory_space<vmem>>) semaphore(%dma_start3A_734 : memref<!tpu.dma_semaphore, #tpu.memory_space<semaphore_mem>>)
      } else {
      }
    }
    %scan3A_139 = arith.constant 10 : i32
    return
  }
}

module attributes {stable_mosaic.version = 14 : i64} {
  func.func @_tc_math_kernel(%arg0: i32, %arg1: memref<4096x64xf32, #tpu.memory_space<vmem>>, %arg2: memref<4096x16xf32, #tpu.memory_space<vmem>>, %arg3: memref<16x64xf32, #tpu.memory_space<vmem>>, %arg4: memref<4096x64xf32, #tpu.memory_space<vmem>>) attributes {dimension_semantics = [#tpu.dimension_semantics<arbitrary>], iteration_bounds = array<i64: 50>, scalar_prefetch = 0 : i64, scratch_operands = 0 : i64, tpu.core_type = #tpu.core_type<tc>, window_params = [{transform_indices = @transform_0, window_bounds = array<i64: 4096, 64>}, {transform_indices = @transform_1, window_bounds = array<i64: 4096, 16>}, {pipeline_mode = #tpu.pipeline_mode<synchronous>, transform_indices = @transform_2, window_bounds = array<i64: 16, 64>}, {transform_indices = @transform_3, window_bounds = array<i64: 4096, 64>}]} {
    %get3A = arith.constant 0 : index
    %get3A_0 = arith.constant 0 : index
    %get3A_1 = vector.load %arg1[%get3A, %get3A_0] : memref<4096x64xf32, #tpu.memory_space<vmem>>, vector<4096x64xf32>
    %get3A_2 = arith.constant 0 : index
    %get3A_3 = arith.constant 0 : index
    %get3A_4 = vector.load %arg2[%get3A_2, %get3A_3] : memref<4096x16xf32, #tpu.memory_space<vmem>>, vector<4096x16xf32>
    %get3A_5 = arith.constant 0 : index
    %get3A_6 = arith.constant 0 : index
    %get3A_7 = vector.load %arg3[%get3A_5, %get3A_6] : memref<16x64xf32, #tpu.memory_space<vmem>>, vector<16x64xf32>
    %mul3A = arith.mulf %get3A_1, %get3A_1 : vector<4096x64xf32>
    %reduce_sum3A = arith.constant dense<0.000000e+00> : vector<4096xf32>
    %reduce_sum3A_8 = vector.multi_reduction <add>, %mul3A, %reduce_sum3A [1] : vector<4096x64xf32> to vector<4096xf32>
    %broadcast_in_dim3A = vector.shape_cast %reduce_sum3A_8 : vector<4096xf32> to vector<4096x1xf32>
    %sqrt3A = math.sqrt %broadcast_in_dim3A : vector<4096x1xf32>
    %gt3A = arith.constant 0.999989986 : f32
    %gt3A_9 = vector.broadcast %gt3A : f32 to vector<4096x1xf32>
    %gt3A_10 = arith.cmpf ogt, %sqrt3A, %gt3A_9 : vector<4096x1xf32>
    %max3A = arith.constant 1.000000e-15 : f32
    %max3A_11 = vector.broadcast %max3A : f32 to vector<4096x1xf32>
    %max3A_12 = arith.maximumf %sqrt3A, %max3A_11 : vector<4096x1xf32>
    %div3A = arith.constant 0.999989986 : f32
    %div3A_13 = vector.broadcast %div3A : f32 to vector<4096x1xf32>
    %div3A_14 = arith.divf %div3A_13, %max3A_12 : vector<4096x1xf32>
    %jit3A = arith.constant 1.000000e+00 : f32
    %broadcast_in_dim3A_15 = vector.broadcast %jit3A : f32 to vector<4096x1xf32>
    %select_n3A = arith.select %gt3A_10, %div3A_14, %broadcast_in_dim3A_15 : vector<4096x1xi1>, vector<4096x1xf32>
    %mul3A_16 = vector.broadcast %select_n3A : vector<4096x1xf32> to vector<4096x64xf32>
    %mul3A_17 = arith.mulf %get3A_1, %mul3A_16 : vector<4096x64xf32>
    %dot_general3A = arith.constant dense<0.000000e+00> : vector<4096x64xf32>
    %dot_general3A_18 = tpu.matmul %get3A_4, %get3A_7, %dot_general3A {dimension_numbers = #tpu.dot_dimension_numbers<[1], [0], [0], [1], [0, 0, 1, 1], [], []>, transpose_lhs_hint = false} : vector<4096x16xf32>, vector<16x64xf32>, vector<4096x64xf32> -> vector<4096x64xf32>
    %mul3A_19 = arith.constant 1.000000e-01 : f32
    %mul3A_20 = vector.broadcast %mul3A_19 : f32 to vector<4096x64xf32>
    %mul3A_21 = arith.mulf %mul3A_20, %dot_general3A_18 : vector<4096x64xf32>
    %mul3A_22 = arith.mulf %mul3A_21, %mul3A_21 : vector<4096x64xf32>
    %reduce_sum3A_23 = arith.constant dense<0.000000e+00> : vector<4096xf32>
    %reduce_sum3A_24 = vector.multi_reduction <add>, %mul3A_22, %reduce_sum3A_23 [1] : vector<4096x64xf32> to vector<4096xf32>
    %broadcast_in_dim3A_25 = vector.shape_cast %reduce_sum3A_24 : vector<4096xf32> to vector<4096x1xf32>
    %sqrt3A_26 = math.sqrt %broadcast_in_dim3A_25 : vector<4096x1xf32>
    %max3A_27 = arith.constant 1.000000e-15 : f32
    %max3A_28 = vector.broadcast %max3A_27 : f32 to vector<4096x1xf32>
    %max3A_29 = arith.maximumf %sqrt3A_26, %max3A_28 : vector<4096x1xf32>
    %tanh3A = math.tanh %max3A_29 : vector<4096x1xf32>
    %mul3A_30 = vector.broadcast %tanh3A : vector<4096x1xf32> to vector<4096x64xf32>
    %mul3A_31 = arith.mulf %mul3A_30, %mul3A_21 : vector<4096x64xf32>
    %div3A_32 = vector.broadcast %max3A_29 : vector<4096x1xf32> to vector<4096x64xf32>
    %div3A_33 = arith.divf %mul3A_31, %div3A_32 : vector<4096x64xf32>
    %mul3A_34 = arith.mulf %mul3A_17, %div3A_33 : vector<4096x64xf32>
    %reduce_sum3A_35 = arith.constant dense<0.000000e+00> : vector<4096xf32>
    %reduce_sum3A_36 = vector.multi_reduction <add>, %mul3A_34, %reduce_sum3A_35 [1] : vector<4096x64xf32> to vector<4096xf32>
    %broadcast_in_dim3A_37 = vector.shape_cast %reduce_sum3A_36 : vector<4096xf32> to vector<4096x1xf32>
    %mul3A_38 = arith.mulf %mul3A_17, %mul3A_17 : vector<4096x64xf32>
    %reduce_sum3A_39 = arith.constant dense<0.000000e+00> : vector<4096xf32>
    %reduce_sum3A_40 = vector.multi_reduction <add>, %mul3A_38, %reduce_sum3A_39 [1] : vector<4096x64xf32> to vector<4096xf32>
    %broadcast_in_dim3A_41 = vector.shape_cast %reduce_sum3A_40 : vector<4096xf32> to vector<4096x1xf32>
    %mul3A_42 = arith.mulf %div3A_33, %div3A_33 : vector<4096x64xf32>
    %reduce_sum3A_43 = arith.constant dense<0.000000e+00> : vector<4096xf32>
    %reduce_sum3A_44 = vector.multi_reduction <add>, %mul3A_42, %reduce_sum3A_43 [1] : vector<4096x64xf32> to vector<4096xf32>
    %broadcast_in_dim3A_45 = vector.shape_cast %reduce_sum3A_44 : vector<4096xf32> to vector<4096x1xf32>
    %mul3A_46 = arith.constant 2.000000e+00 : f32
    %mul3A_47 = vector.broadcast %mul3A_46 : f32 to vector<4096x1xf32>
    %mul3A_48 = arith.mulf %mul3A_47, %broadcast_in_dim3A_37 : vector<4096x1xf32>
    %add3A = arith.constant 1.000000e+00 : f32
    %add3A_49 = vector.broadcast %add3A : f32 to vector<4096x1xf32>
    %add3A_50 = arith.addf %add3A_49, %mul3A_48 : vector<4096x1xf32>
    %add3A_51 = arith.addf %add3A_50, %broadcast_in_dim3A_45 : vector<4096x1xf32>
    %mul3A_52 = vector.broadcast %add3A_51 : vector<4096x1xf32> to vector<4096x64xf32>
    %mul3A_53 = arith.mulf %mul3A_52, %mul3A_17 : vector<4096x64xf32>
    %sub3A = arith.constant 1.000000e+00 : f32
    %sub3A_54 = vector.broadcast %sub3A : f32 to vector<4096x1xf32>
    %sub3A_55 = arith.subf %sub3A_54, %broadcast_in_dim3A_41 : vector<4096x1xf32>
    %mul3A_56 = vector.broadcast %sub3A_55 : vector<4096x1xf32> to vector<4096x64xf32>
    %mul3A_57 = arith.mulf %mul3A_56, %div3A_33 : vector<4096x64xf32>
    %add3A_58 = arith.addf %mul3A_53, %mul3A_57 : vector<4096x64xf32>
    %mul3A_59 = arith.constant 2.000000e+00 : f32
    %mul3A_60 = vector.broadcast %mul3A_59 : f32 to vector<4096x1xf32>
    %mul3A_61 = arith.mulf %mul3A_60, %broadcast_in_dim3A_37 : vector<4096x1xf32>
    %add3A_62 = arith.constant 1.000000e+00 : f32
    %add3A_63 = vector.broadcast %add3A_62 : f32 to vector<4096x1xf32>
    %add3A_64 = arith.addf %add3A_63, %mul3A_61 : vector<4096x1xf32>
    %mul3A_65 = arith.mulf %broadcast_in_dim3A_41, %broadcast_in_dim3A_45 : vector<4096x1xf32>
    %add3A_66 = arith.addf %add3A_64, %mul3A_65 : vector<4096x1xf32>
    %max3A_67 = arith.constant 1.000000e-15 : f32
    %max3A_68 = vector.broadcast %max3A_67 : f32 to vector<4096x1xf32>
    %max3A_69 = arith.maximumf %add3A_66, %max3A_68 : vector<4096x1xf32>
    %div3A_70 = vector.broadcast %max3A_69 : vector<4096x1xf32> to vector<4096x64xf32>
    %div3A_71 = arith.divf %add3A_58, %div3A_70 : vector<4096x64xf32>
    %mul3A_72 = arith.mulf %div3A_71, %div3A_71 : vector<4096x64xf32>
    %reduce_sum3A_73 = arith.constant dense<0.000000e+00> : vector<4096xf32>
    %reduce_sum3A_74 = vector.multi_reduction <add>, %mul3A_72, %reduce_sum3A_73 [1] : vector<4096x64xf32> to vector<4096xf32>
    %broadcast_in_dim3A_75 = vector.shape_cast %reduce_sum3A_74 : vector<4096xf32> to vector<4096x1xf32>
    %sqrt3A_76 = math.sqrt %broadcast_in_dim3A_75 : vector<4096x1xf32>
    %gt3A_77 = arith.constant 0.999989986 : f32
    %gt3A_78 = vector.broadcast %gt3A_77 : f32 to vector<4096x1xf32>
    %gt3A_79 = arith.cmpf ogt, %sqrt3A_76, %gt3A_78 : vector<4096x1xf32>
    %max3A_80 = arith.constant 1.000000e-15 : f32
    %max3A_81 = vector.broadcast %max3A_80 : f32 to vector<4096x1xf32>
    %max3A_82 = arith.maximumf %sqrt3A_76, %max3A_81 : vector<4096x1xf32>
    %div3A_83 = arith.constant 0.999989986 : f32
    %div3A_84 = vector.broadcast %div3A_83 : f32 to vector<4096x1xf32>
    %div3A_85 = arith.divf %div3A_84, %max3A_82 : vector<4096x1xf32>
    %jit3A_86 = arith.constant 1.000000e+00 : f32
    %broadcast_in_dim3A_87 = vector.broadcast %jit3A_86 : f32 to vector<4096x1xf32>
    %select_n3A_88 = arith.select %gt3A_79, %div3A_85, %broadcast_in_dim3A_87 : vector<4096x1xi1>, vector<4096x1xf32>
    %mul3A_89 = vector.broadcast %select_n3A_88 : vector<4096x1xf32> to vector<4096x64xf32>
    %mul3A_90 = arith.mulf %div3A_71, %mul3A_89 : vector<4096x64xf32>
    %swap3A = arith.constant 0 : index
    %swap3A_91 = arith.constant 0 : index
    %swap3A_92 = vector.load %arg4[%swap3A, %swap3A_91] : memref<4096x64xf32, #tpu.memory_space<vmem>>, vector<4096x64xf32>
    tpu.vector_store %arg4[%swap3A, %swap3A_91], %mul3A_90 {strides = array<i32>} : memref<4096x64xf32, #tpu.memory_space<vmem>>, vector<4096x64xf32>,
    return
  }
  func.func @transform_0(%arg0: i32) -> (i32, i32) {
    %c0_i32 = arith.constant 0 : i32
    %c0_i32_0 = arith.constant 0 : i32
    return %arg0, %c0_i32 : i32, i32
  }
  func.func @transform_1(%arg0: i32) -> (i32, i32) {
    %c0_i32 = arith.constant 0 : i32
    %c0_i32_0 = arith.constant 0 : i32
    return %arg0, %c0_i32 : i32, i32
  }
  func.func @transform_2(%arg0: i32) -> (i32, i32) {
    %c0_i32 = arith.constant 0 : i32
    %c0_i32_0 = arith.constant 0 : i32
    %c0_i32_1 = arith.constant 0 : i32
    return %c0_i32, %c0_i32_0 : i32, i32
  }
  func.func @transform_3(%arg0: i32) -> (i32, i32) {
    %c0_i32 = arith.constant 0 : i32
    %c0_i32_0 = arith.constant 0 : i32
    return %arg0, %c0_i32 : i32, i32
  }
}

</mosaic_0001>

<sc_bundles>
// kernel: kernel.4.cloned.1.call-start
scs
__scs_entry_jumppad:
0x0: {  	(pc) =	sbr.rel $0x88, $3  }
0x1: {  	(tag) =	ssettag $0x0;
	lr =	simm.s32 $0x1  }
0x2: {  	[smem:$0x3F9D] =	sst lr;
	_ =	strace $0xD0000000  }
0x3: {  	_ = 	snop  }
0x4: {  	_ = 	snop  }
0x5: {  	_ = 	snop  }
0x6: {  	_ = 	snop  }
0x7: {  	_ = 	snop  }
__scs_overlays_trampoline_lowered:
0x8: {  	[smem:$0x3FAC] =	sst s0  }
0x9: {  	[smem:$0x3FAD] =	sst s1  }
0xa: {  	[smem:$0x3FAE] =	sst s2  }
0xb: {  	[smem:$0x3FAF] =	sst s3  }
0xc: {  	[smem:$0x3FB0] =	sst s4  }
0xd: {  	[smem:$0x3FB1] =	sst s5  }
0xe: {  	[smem:$0x3FB2] =	sst s6  }
0xf: {  	[smem:$0x3FB3] =	sst s7  }
0x10: {  	[smem:$0x3FB4] =	sst s8  }
0x11: {  	[smem:$0x3FB5] =	sst s9;
	s0 =	simm.s32 @!p0 $0x0  }
0x12: {  	s1 =	sld [smem:$0x3F9B];
	s0 =	simm.s32 @p0 $0x1  }
0x13: {  	[smem:$0x3FB6] =	sst s0;
	s0 =	simm.s32 @!p1 $0x0  }
0x14: {  	s2 =	sld [smem:$0x3F9A];
	s0 =	simm.s32 @p1 $0x1  }
0x15: {  	[smem:$0x3FB7] =	sst s0;
	s0 =	simm.s32 @!p2 $0x0  }
0x16: {  	s3 =	sld [smem:$0x3FDB];
	s0 =	simm.s32 @p2 $0x1  }
0x17: {  	s4 =	simm.s32 $0x1BF5;
	[smem:$0x3FB9] =	sst s0  }
0x18: {  	s0 =	sld [smem:$0x3F9C];
	_ =	swait.ge [sflag:s4], $0x0  }
0x19: {  	s7 =	sld [smem:$0x3F9D]  }
0x1a: {  	s8 =	sadd.s32 $0xFFFFE003, lr  }
0x1b: {  	s9 =	sadd.s32 $0xFFFFFEF7, lr;
	s5 =	simm.s32 $0xFFFFFFFF;
	p2 =	slt.u32 s8, $0xFFFFF086  }
0x1c: {  	p1 =	slt.u32 s9, $0xF7A;
	s5 =	simm.s32 @!p2 $0x0  }
0x1d: {  	s5 =	simm.s32 @p1 $0x1;
	p0 =	seq.s32 s7, s2  }
0x1e: {  	s7 =	smul.u32 @!p0 $0xF7A, s2;
	p2 =	seq.s32 @!p0 s5, $0x0  }
0x1f: {  	s9 =	smul.u32 $0xF7A, s1;
	s8 =	simm.s32 @!p0 $0x1BF5;
	p2 =	por !p2, p0  }
0x20: {  	[sflag:s8] =	ssyncset.s32 @!p0 $0xFFFFF086;
	s6 =	sadd.s32 @!p0 s3, s7;
	s7 =	simm.s32 @!p0 $0x108  }
0x21: {  	s3 =	sadd.s32 s3, s9;
	s6 =	sadd.s32 @!p0 $0x88, s6;
	s7 =	simm.s32 @p2 $0x1082  }
0x22: {  	[simem:s7], [sflag:s8] =	dma.local @!p0 [hbm:s6], $0xF7A  }
0x23: {  	s9 =	sor.u32 $0xD0000000, s2;
	s6 =	simm.s32 $0x108;
	_ =	swait.ge @!p0 [sflag:s8], $0x0  }
0x24: {  	s3 =	sadd.s32 $0x88, s3;
	s6 =	simm.s32 @!p1 $0x1082;
	[sflag:s4] =	ssyncset.s32 $0xFFFFF086  }
0x25: {  	[simem:s6], [sflag:s4] =	dma.local [hbm:s3], $0xF7A  }
0x26: {  	[smem:$0x3F9D] =	sst s1;
	(tag) =	ssettag s2;
	_ =	strace s9  }
0x27: {  	s1 =	sld [smem:$0x3FAD]  }
0x28: {  	s2 =	sld [smem:$0x3FAE]  }
0x29: {  	s4 =	sld [smem:$0x3FB0]  }
0x2a: {  	p0 =	seq.s32 s5, $0x0;
	s5 =	sld [smem:$0x3FB1]  }
0x2b: {  	s6 =	sld [smem:$0x3FB2]  }
0x2c: {  	s7 =	sld [smem:$0x3FB3]  }
0x2d: {  	s3 =	simm.s32 $0x108;
	s8 =	sld [smem:$0x3FB4]  }
0x2e: {  	s3 =	simm.s32 @!p0 $0x1082;
	s9 =	sld [smem:$0x3FB5]  }
0x2f: {  	lr =	sadd.s32 s0, s3;
	s0 =	sld [smem:$0x3FAC]  }
0x30: {  	s3 =	sld [smem:$0x3FAF]  }
0x31: {  	[smem:$0x3FB8] =	sst s10  }
0x32: {  	s10 =	sld [smem:$0x3FB6];
	_ =	sdelay $0x3  }
0x33: {  	p0 =	seq.s32 s10, $0x1;
	s10 =	sld [smem:$0x3FB8];
	_ =	sdelay $0x3  }
0x34: {  	[smem:$0x3FB8] =	sst s10  }
0x35: {  	s10 =	sld [smem:$0x3FB7];
	_ =	sdelay $0x3  }
0x36: {  	p1 =	seq.s32 s10, $0x1;
	s10 =	sld [smem:$0x3FB8];
	_ =	sdelay $0x3  }
0x37: {  	[smem:$0x3FB8] =	sst s10  }
0x38: {  	s10 =	sld [smem:$0x3FB9]  }
0x39: {  	_ = 	snop;
	(pc) =	sbr.ind lr, $3  }
0x3a: {  	_ = 	snop  }
0x3b: {  	_ = 	snop  }
0x3c: {  	p2 =	seq.s32 s10, $0x1;
	s10 =	sld [smem:$0x3FB8]  }
0x3d: {  	_ =	shalt  }
0x3e: {  	_ =	shalt  }
0x3f: {  	_ =	shalt  }
0x40: {  	_ =	shalt  }
0x41: {  	_ =	shalt  }
0x42: {  	_ =	shalt  }
0x43: {  	_ =	shalt  }
0x44: {  	_ =	shalt  }
0x45: {  	_ =	shalt  }
0x46: {  	_ =	shalt  }
0x47: {  	_ =	shalt  }
0x48: {  	_ =	shalt  }
0x49: {  	_ =	shalt  }
0x4a: {  	_ =	shalt  }
0x4b: {  	_ =	shalt  }
0x4c: {  	_ =	shalt  }
0x4d: {  	_ =	shalt  }
0x4e: {  	_ =	shalt  }
0x4f: {  	_ =	shalt  }
0x50: {  	_ =	shalt  }
0x51: {  	_ =	shalt  }
0x52: {  	_ =	shalt  }
0x53: {  	_ =	shalt  }
0x54: {  	_ =	shalt  }
0x55: {  	_ =	shalt  }
0x56: {  	_ =	shalt  }
0x57: {  	_ =	shalt  }
0x58: {  	_ =	shalt  }
0x59: {  	_ =	shalt  }
0x5a: {  	_ =	shalt  }
0x5b: {  	_ =	shalt  }
0x5c: {  	_ =	shalt  }
0x5d: {  	_ =	shalt  }
0x5e: {  	_ =	shalt  }
0x5f: {  	_ =	shalt  }
0x60: {  	_ =	shalt  }
0x61: {  	_ =	shalt  }
0x62: {  	_ =	shalt  }
0x63: {  	_ =	shalt  }
0x64: {  	_ =	shalt  }
0x65: {  	_ =	shalt  }
0x66: {  	_ =	shalt  }
0x67: {  	_ =	shalt  }
0x68: {  	_ =	shalt  }
0x69: {  	_ =	shalt  }
0x6a: {  	_ =	shalt  }
0x6b: {  	_ =	shalt  }
0x6c: {  	_ =	shalt  }
0x6d: {  	_ =	shalt  }
0x6e: {  	_ =	shalt  }
0x6f: {  	_ =	shalt  }
0x70: {  	_ =	shalt  }
0x71: {  	_ =	shalt  }
0x72: {  	_ =	shalt  }
0x73: {  	_ =	shalt  }
0x74: {  	_ =	shalt  }
0x75: {  	_ =	shalt  }
0x76: {  	_ =	shalt  }
0x77: {  	_ =	shalt  }
0x78: {  	_ =	shalt  }
0x79: {  	_ =	shalt  }
0x7a: {  	_ =	shalt  }
0x7b: {  	_ =	shalt  }
0x7c: {  	_ =	shalt  }
0x7d: {  	_ =	shalt  }
0x7e: {  	_ =	shalt  }
0x7f: {  	_ =	shalt  }
0x80: {  	_ =	shalt  }
0x81: {  	_ =	shalt  }
0x82: {  	_ =	shalt  }
0x83: {  	_ =	shalt  }
0x84: {  	_ =	shalt  }
0x85: {  	_ =	shalt  }
0x86: {  	_ =	shalt  }
0x87: {  	_ =	shalt  }
.Lfunc_end0:
.L_simem_size_0:
called_computation.1_lowered:
.L_overlay_start_0:
0x88: {  	s2 =	sld [smem:$0x3FD9]  }
0x89: {  	s3 =	sld [smem:$0x3FFE];
	_ =	sdelay $0x1  }
0x8a: {  	s1 =	srdreg.scid  }
0x8b: {  	s0 =	sand.u32 $0x1, s1  }
0x8c: {  	s17 =	sshll.u32 s0, $0xA;
	s2 =	sadd.s32 s3, s2  }
0x8d: {  	s2 =	sadd.s32 s2, s17  }
0x8e: {  	[smem:$0x3FC4] =	sst s2  }
0x8f: {  	_ = 	snop  }
0x90: {  	s2 =	sld [smem:$0x3FD0];
	(tm) =	ssettm $0x1  }
0x91: {  	s18 =	sld [smem:$0x3FFB];
	_ =	sdelay $0x3  }
0x92: {  	_ =	strace s18  }
0x93: {  	s3 =	sld [smem:$0x3FFC];
	_ =	sdelay $0x3  }
0x94: {  	_ =	strace s3  }
0x95: {  	s3 =	sld [smem:$0x3FFD];
	_ =	sdelay $0x3  }
0x96: {  	_ =	strace s3  }
0x97: {  	_ =	strace $0x8FFFFFFF  }
0x98: {  	s19 =	sld [smem:$0x3FDB];
	_ =	sdelay $0x1  }
0x99: {  	s4 =	simm.s32 $_scs_section_size  }
0x9a: {  	s5 =	simm.s32 $_size__tile_overlayer_lowered;
	s6 =	simm.s32 $_tile_overlayer_lowered  }
0x9b: {  	s22 =	simm.s32 $0x1BFF;
	s21 =	sshll.u32 s6, $0x1;
	s3 =	sadd.s32 s4, s19  }
0x9c: {  	s7 =	simm.s32 $0x0;
	s20 =	sshll.u32 s5, $0x1;
	s5 =	sadd.s32 s21, s3  }
0x9d: {  	[timem:s7], [sflag:s22] =	dma.local [hbm:s5], s20  }
0x9e: {  	_ =	swait.ge [sflag:s22], s20  }
0x9f: {  	s4 =	ssub.s32 $0x0, s20;
	[sflag:s22] =	ssyncset.done $0x0  }
0xa0: {  	[sflag:s22] =	ssyncadd.s32 s4;
	_ =	sdelay $0x1  }
0xa1: {  	s23 =	simm.s32 $0x1B8B  }
0xa2: {  	_ =	swait.ge [sflag:s23], $0x1  }
0xa3: {  	[sflag:s23] =	ssyncset.done $0x0  }
0xa4: {  	s25 =	simm.s32 $0x1B8E;
	s24 =	sld [smem:$0x3FFE];
	[sflag:s23] =	ssyncadd.s32 $0xFFFFFFFF  }
0xa5: {  	s26 =	simm.s32 $execute0_lowered;
	[smem:$0x3FD2] =	sst s25  }
0xa6: {  	s5 =	sshll.u32 s26, $0x1;
	_ =	strace $0x80000046;
	[dreg:$0x1] =	wrdreg $0xFFFFFFFF  }
0xa7: {  	s28 =	simm.s32 $_size_execute0_lowered;
	s3 =	sadd.s32 s3, s5;
	[dreg:$0x0] =	wrdreg $0x0  }
0xa8: {  	s5 =	sshll.u32 s28, $0x1;
	[dreg:$0x2] =	wrdreg s3  }
0xa9: {  	[dreg:$0x3] =	wrdreg s5  }
0xaa: {  	[dreg:$0x4] =	wrdreg $0xC0  }
0xab: {  	_ =	task [dreg:s7], $0x5FFFF  }
0xac: {  	[dreg:$0x1] =	wrdreg $0xFFFFFFFF  }
0xad: {  	[dreg:$0x0] =	wrdreg $0x60  }
0xae: {  	[dreg:$0x2] =	wrdreg s24  }
0xaf: {  	[dreg:$0x3] =	wrdreg s2  }
0xb0: {  	[dreg:$0x4] =	wrdreg $0x9  }
0xb1: {  	_ =	task.clear_ibuf [dreg:s7], $0x5FFFF;
	_ =	strace $0x90000046  }
0xb2: {  	s29 =	simm.s32 $0x9;
	_ =	strace $0x80000048  }
0xb3: {  	_ =	swait.ge [sflag:s29], $0x1  }
0xb4: {  	[sflag:s29] =	ssyncadd.s32 $0xFFFFFFFF  }
0xb5: {  	_ =	strace $0x90000048  }
0xb6: {  	_ =	sfence  }
0xb7: {  	s30 =	sld [smem:$0x0];
	_ =	sdelay $0x2  }
0xb8: {  	s31 =	sshll.u32 s1, $0xD;
	s1 =	sshrl.u32 s1, $0x2  }
0xb9: {  	s3 =	sand.u32 $0x4000, s31;
	s1 =	sadd.s32 s1, s30  }
0xba: {  	s0 =	sor.u32 s3, s0;
	s1 =	sshll.u32 s1, $0x11  }
0xbb: {  	s0 =	sor.u32 s1, s0  }
0xbc: {  	s0 =	sadd.s32 $0x8F2B, s0  }
0xbd: {  	[sflag:s0] =	ssyncadd.remote.s32 $0x1  }
0xbe: {  	_ =	sfence.sel $0xFFFF  }
0xbf: {  	[dreg:$0x0] =	wrdreg $0xFFFFFFFF;
	(pc) =	sbr.abs _section_cstart, $3  }
0xc0: {  	[dreg:$0x1] =	wrdreg $0xFFFFFFFF  }
0xc1: {  	_ =	task.clear_ibuf [dreg:s7], $0x2FFFF;
	_ =	strace $0x9FFFFFFF  }
0xc2: {  	(tm) =	ssettm $0x7FFFFFFF  }
0xc3: {  	_ =	shalt  }
tec
execute0_lowered:
.L_overlay_start_1:
0x0: {  	(tag) =	ssettag $0x1  }
0x1: {  	s0 =	srdreg.scid;
	s5 =	rddreg [dreg:$0x0]  }
0x2: {  	s11 =	stileid.u32;
	s6 =	rddreg [dreg:$0x1];
	s2 =	simm.s32 $0x0  }
0x3: {  	s28 =	simm.s32 $0x3900;
	s30 =	simm.s32 $0xC100;
	s31 =	simm.s32 $0xD900  }
0x4: {  	s12 =	simm.s32 $0xA;
	s14 =	simm.s32 $0x6;
	s7 =	smul.u32 $0x3200, s11  }
0x5: {  	s29 =	simm.s32 $0x10;
	s0 =	sand.u32 $0x1, s0;
	s16 =	smul.u32 $0x6400, s11  }
0x6: {  	s1 =	sshll.u32 s11, $0x1;
	s3 =	sadd.s32 $0xF43400, s5;
	s23 =	smul.u32 $0x19000, s11  }
0x7: {  	[smem:$0x7FF] =	sst s2;
	s4 =	sadd.s32 $0x16E4600, s5;
	s9 =	smul.u32 $0x1900, s0  }
0x8: {  	s11 =	simm.s32 $0x5;
	s1 =	sor.u32 s0, s1;
	s17 =	smul.u32 $0x3200, s0  }
0x9: {  	_ =	strace $0x80000047;
	s8 =	ssub.s32 $0x2, s0;
	s0 =	smul.u32 $0xC800, s0  }
0xa: {  	s1 =	smul.u32 $0x1900, s1;
	s15 =	sshrl.u32 s8, $0x1;
	s26 =	sadd.s32 s23, s6  }
0xb: {  	s23 =	simm.s32 $0x9900;
	s7 =	sadd.s32 s9, s7;
	s0 =	sadd.s32 s0, s26  }
0xc: {  	s26 =	simm.s32 $0xB900;
	s1 =	sshrl.u32 s1, $0x3;
	s9 =	sshll.u32 s7, $0x3  }
0xd: {  	s19 =	sadd.s32 $0x180, s7;
	s7 =	sor.u32 $0x80, s7;
	[dreg:$0xa] =	wrdreg s0  }
0xe: {  	s0 =	simm.s32 $0x7;
	s1 =	sadd.s32 s1, s5;
	s5 =	sadd.s32 $0x7400, s5  }
0xf: {  	s18 =	sadd.s32 s6, s9;
	s21 =	sshrl.u32 s19, $0x7;
	s22 =	sshrl.u32 s7, $0x7  }
0x10: {  	s19 =	simm.s32 $0xC900;
	s7 =	simm.s32 $0x4;
	s9 =	simm.s32 $0x9  }
0x11: {  	[dreg:$0x3] =	wrdreg s5;
	s5 =	ssub.s32 s8, s15;
	s1 =	sadd.s32 $0x1000, s1  }
0x12: {  	s8 =	sadd.s32 s17, s16;
	s20 =	sadd.s32 $0x1000, s18;
	s10 =	sshll.u32 s21, $0x8  }
0x13: {  	s24 =	sshll.u32 s22, $0xA;
	s13 =	sshll.u32 s22, $0x8;
	s15 =	simm.s32 $0xB  }
0x14: {  	s22 =	simm.s32 $0xC;
	s17 =	simm.s32 $0x0;
	[dreg:$0x4] =	wrdreg s1  }
0x15: {  	s5 =	smax.u32 s5, $0x1;
	[dreg:$0x6] =	wrdreg s20;
	s1 =	sshll.u32 s21, $0xA  }
0x16: {  	s25 =	sadd.s32 s24, s6;
	s24 =	simm.s32 $0x1900;
	s20 =	simm.s32 $0x7900  }
0x17: {  	s21 =	simm.s32 $0xD100;
	[dreg:$0x5] =	wrdreg s5;
	s1 =	sadd.s32 s1, s6  }
0x18: {  	s5 =	sadd.s32 $0x800, s18;
	[dreg:$0x9] =	wrdreg s25;
	s18 =	simm.s32 $0x5900  }
0x19: {  	s6 =	simm.s32 $0x8;
	s25 =	simm.s32 $0xE;
	[dreg:$0x7] =	wrdreg s1  }
0x1a: {  	[dreg:$0x8] =	wrdreg s5;
	s1 =	simm.s32 $0x2;
	s5 =	simm.s32 $0x3  }
.LBB2_1:
0x1b: {  	[dreg:$0xb] =	wrdreg s17  }
0x1c: {  	s16 =	rddreg [dreg:$0x4];
	s17 =	simm.s32 $0x1  }
0x1d: {  	[tilespmem:s2], [sflag:$0x1] =	stream.linear.gather [hbm4b:s16+s2], $0x1900, $0x38;
	[tilespmem:$0xE100] =	vst v63  }
0x1e: {  	_ =	swait.ge [sflag:s17], $0x1900  }
0x1f: {  	[sflag:s17] =	ssyncset.done $0x0  }
0x20: {  	s16 =	simm.s32 $0x80;
	[sflag:s17] =	ssyncadd.s32 $0xFFFFE700  }
0x21: {  	[tilespmem:s24], [sflag:$0x2] =	stream.indirect.gather [hbm4b:s3+s16], $0x40, s2, s16, $0xb8;
	[tilespmem:$0xE100] =	vst v63  }
0x22: {  	_ = 	snop  }
0x23: {  	[tilespmem:s26], [sflag:$0x7] =	stream.indirect.gather [hbm4b:s4+s16], $0x10, s2, s16, $0xb8;
	[tilespmem:$0xE100] =	vst v63  }
0x24: {  	_ = 	snop  }
0x25: {  	[tilespmem:s28], [sflag:$0x3] =	stream.indirect.gather [hbm4b:s3+s16], $0x40, s16, s16, $0xb8;
	[tilespmem:$0xE100] =	vst v63  }
0x26: {  	_ = 	snop  }
0x27: {  	[tilespmem:s30], [sflag:$0x8] =	stream.indirect.gather [hbm4b:s4+s16], $0x10, s16, s16, $0xb8;
	[tilespmem:$0xE100] =	vst v63  }
0x28: {  	s17 =	simm.s32 $0x100  }
0x29: {  	[tilespmem:s18], [sflag:$0x4] =	stream.indirect.gather [hbm4b:s3+s16], $0x40, s17, s16, $0xb8;
	[tilespmem:$0xE100] =	vst v63  }
0x2a: {  	_ = 	snop  }
0x2b: {  	[tilespmem:s19], [sflag:$0x9] =	stream.indirect.gather [hbm4b:s4+s16], $0x10, s17, s16, $0xb8;
	[tilespmem:$0xE100] =	vst v63  }
0x2c: {  	s18 =	rddreg [dreg:$0x8];
	s19 =	simm.s32 $0x180  }
0x2d: {  	[tilespmem:s20], [sflag:$0x5] =	stream.indirect.gather [hbm4b:s3+s16], $0x40, s19, s16, $0xb8;
	[tilespmem:$0xE100] =	vst v63  }
0x2e: {  	s17 =	rddreg [dreg:$0xa]  }
0x2f: {  	[tilespmem:s21], [sflag:$0xA] =	stream.indirect.gather [hbm4b:s4+s16], $0x10, s19, s16, $0xb8;
	[tilespmem:$0xE100] =	vst v63  }
0x30: {  	s20 =	rddreg [dreg:$0x6];
	s21 =	simm.s32 $0x200  }
0x31: {  	[tilespmem:s23], [sflag:$0x6] =	stream.indirect.gather [hbm4b:s3+s16], $0x40, s21, s16, $0xb8;
	[tilespmem:$0xE100] =	vst v63  }
0x32: {  	s19 =	rddreg [dreg:$0x7]  }
0x33: {  	[tilespmem:s31], [sflag:$0xB] =	stream.indirect.gather [hbm4b:s4+s16], $0x10, s21, s16, $0xb8;
	[tilespmem:$0xE100] =	vst v63  }
0x34: {  	s16 =	rddreg [dreg:$0x9]  }
0x35: {  	s23 =	simm.s32 $0x0;
	s21 =	rddreg [dreg:$0x3];
	s31 =	simm.s32 $0x9900  }
.LBB2_2:
0x36: {  	_ =	swait.ge [sflag:s1], $0x2000  }
0x37: {  	[sflag:s1] =	ssyncset.done $0x0  }
0x38: {  	[sflag:s1] =	ssyncadd.s32 $0xFFFFE000  }
0x39: {  	_ =	swait.ge [sflag:s0], $0x800  }
0x3a: {  	[sflag:s0] =	ssyncset.done $0x0  }
0x3b: {  	[sflag:s0] =	ssyncadd.s32 $0xFFFFF800  }
0x3c: {  	[hbm4b:s17+s2] =	stream.linear.scatter [tilespmem:s24], [sflag:$0xC], $0x2000, $0x38;
	[tilespmem:$0xE100] =	vst v63  }
0x3d: {  	s24 =	sadd.s32 s21, s8  }
0x3e: {  	[hbm4b:s24+s2] =	stream.linear.scatter [tilespmem:s26], [sflag:$0xC], $0x800, $0x38;
	[tilespmem:$0xE100] =	vst v63  }
0x3f: {  	_ =	swait.ge [sflag:s5], $0x2000  }
0x40: {  	[sflag:s5] =	ssyncset.done $0x0  }
0x41: {  	[sflag:s5] =	ssyncadd.s32 $0xFFFFE000  }
0x42: {  	_ =	swait.ge [sflag:s6], $0x800  }
0x43: {  	[sflag:s6] =	ssyncset.done $0x0  }
0x44: {  	[sflag:s6] =	ssyncadd.s32 $0xFFFFF800  }
0x45: {  	[hbm4b:s16+s2] =	stream.linear.scatter [tilespmem:s28], [sflag:$0xD], $0x2000, $0x38;
	[tilespmem:$0xE100] =	vst v63  }
0x46: {  	s26 =	sadd.s32 s21, s13  }
0x47: {  	[hbm4b:s26+s2] =	stream.linear.scatter [tilespmem:s30], [sflag:$0xD], $0x800, $0x38;
	[tilespmem:$0xE100] =	vst v63  }
0x48: {  	_ =	swait.ge [sflag:s7], $0x2000  }
0x49: {  	[sflag:s7] =	ssyncset.done $0x0  }
0x4a: {  	[sflag:s7] =	ssyncadd.s32 $0xFFFFE000  }
0x4b: {  	_ =	swait.ge [sflag:s9], $0x800  }
0x4c: {  	[sflag:s9] =	ssyncset.done $0x0  }
0x4d: {  	s26 =	simm.s32 $0x5900;
	[sflag:s9] =	ssyncadd.s32 $0xFFFFF800  }
0x4e: {  	[hbm4b:s18+s2] =	stream.linear.scatter [tilespmem:s26], [sflag:$0xE], $0x2000, $0x38;
	[tilespmem:$0xE100] =	vst v63  }
0x4f: {  	s28 =	simm.s32 $0xC900;
	s26 =	sadd.s32 $0x200, s24  }
0x50: {  	[hbm4b:s26+s2] =	stream.linear.scatter [tilespmem:s28], [sflag:$0xE], $0x800, $0x38;
	[tilespmem:$0xE100] =	vst v63  }
0x51: {  	_ =	swait.ge [sflag:s11], $0x2000  }
0x52: {  	[sflag:s11] =	ssyncset.done $0x0  }
0x53: {  	[sflag:s11] =	ssyncadd.s32 $0xFFFFE000  }
0x54: {  	_ =	swait.ge [sflag:s12], $0x800  }
0x55: {  	[sflag:s12] =	ssyncset.done $0x0  }
0x56: {  	s26 =	simm.s32 $0x7900;
	[sflag:s12] =	ssyncadd.s32 $0xFFFFF800  }
0x57: {  	[hbm4b:s19+s2] =	stream.linear.scatter [tilespmem:s26], [sflag:$0xF], $0x2000, $0x38;
	[tilespmem:$0xE100] =	vst v63  }
0x58: {  	s28 =	simm.s32 $0xD100;
	s26 =	sadd.s32 s21, s10  }
0x59: {  	[hbm4b:s26+s2] =	stream.linear.scatter [tilespmem:s28], [sflag:$0xF], $0x800, $0x38;
	[tilespmem:$0xE100] =	vst v63  }
0x5a: {  	_ =	swait.ge [sflag:s14], $0x2000  }
0x5b: {  	[sflag:s14] =	ssyncset.done $0x0  }
0x5c: {  	[sflag:s14] =	ssyncadd.s32 $0xFFFFE000  }
0x5d: {  	_ =	swait.ge [sflag:s15], $0x800  }
0x5e: {  	[sflag:s15] =	ssyncset.done $0x0  }
0x5f: {  	[sflag:s15] =	ssyncadd.s32 $0xFFFFF800  }
0x60: {  	[hbm4b:s20+s2] =	stream.linear.scatter [tilespmem:s31], [sflag:$0x10], $0x2000, $0x38;
	[tilespmem:$0xE100] =	vst v63  }
0x61: {  	s24 =	sadd.s32 $0x400, s24;
	s26 =	simm.s32 $0xD900  }
0x62: {  	[hbm4b:s24+s2] =	stream.linear.scatter [tilespmem:s26], [sflag:$0x10], $0x800, $0x38;
	[tilespmem:$0xE100] =	vst v63  }
0x63: {  	_ =	swait.ge [sflag:s22], $0x2000  }
0x64: {  	[sflag:s22] =	ssyncset.done $0x0  }
0x65: {  	[sflag:s22] =	ssyncadd.s32 $0xFFFFE000  }
0x66: {  	_ =	swait.ge [sflag:s22], $0x800  }
0x67: {  	p0 =	seq.s32 s23, $0x5A00;
	[sflag:s22] =	ssyncset.done $0x0  }
0x68: {  	s24 =	simm.s32 @p0 $0xD;
	[sflag:s22] =	ssyncadd.s32 $0xFFFFF800  }
0x69: {  	_ =	swait.ge @p0 [sflag:s24], $0x2000  }
0x6a: {  	[sflag:s24] =	ssyncset.done @p0 $0x0  }
0x6b: {  	[sflag:s24] =	ssyncadd.s32 @p0 $0xFFFFE000  }
0x6c: {  	_ =	swait.ge @p0 [sflag:s24], $0x800  }
0x6d: {  	[sflag:s24] =	ssyncset.done @p0 $0x0  }
0x6e: {  	[sflag:s24] =	ssyncadd.s32 @p0 $0xFFFFF800;
	s24 =	sshra.s32 @!p0 s23, $0x2  }
0x6f: {  	s30 =	simm.s32 @!p0 $0x1900;
	s28 =	simm.s32 @!p0 $0x80;
	s26 =	sadd.s32 @!p0 $0x280, s24  }
0x70: {  	[tilespmem:s30], [sflag:$0x2] =	stream.indirect.gather @!p0 [hbm4b:s3+s28], $0x40, s26, s28, $0xb8;
	[tilespmem:$0xE100] =	vst v63  }
0x71: {  	s30 =	simm.s32 @!p0 $0xB900  }
0x72: {  	[tilespmem:s30], [sflag:$0x7] =	stream.indirect.gather @!p0 [hbm4b:s4+s28], $0x10, s26, s28, $0xb8;
	[tilespmem:$0xE100] =	vst v63  }
0x73: {  	s26 =	simm.s32 @!p0 $0xD  }
0x74: {  	_ =	swait.ge @!p0 [sflag:s26], $0x2000  }
0x75: {  	[sflag:s26] =	ssyncset.done @!p0 $0x0  }
0x76: {  	[sflag:s26] =	ssyncadd.s32 @!p0 $0xFFFFE000  }
0x77: {  	_ =	swait.ge @!p0 [sflag:s26], $0x800  }
0x78: {  	[sflag:s26] =	ssyncset.done @!p0 $0x0  }
0x79: {  	s30 =	simm.s32 @!p0 $0x3900;
	[sflag:s26] =	ssyncadd.s32 @!p0 $0xFFFFF800;
	s26 =	sadd.s32 @!p0 $0x300, s24  }
0x7a: {  	[tilespmem:s30], [sflag:$0x3] =	stream.indirect.gather @!p0 [hbm4b:s3+s28], $0x40, s26, s28, $0xb8;
	[tilespmem:$0xE100] =	vst v63  }
0x7b: {  	s30 =	simm.s32 @!p0 $0xC100  }
0x7c: {  	[tilespmem:s30], [sflag:$0x8] =	stream.indirect.gather @!p0 [hbm4b:s4+s28], $0x10, s26, s28, $0xb8;
	[tilespmem:$0xE100] =	vst v63  }
0x7d: {  	_ =	swait.ge [sflag:s25], $0x2000  }
0x7e: {  	[sflag:s25] =	ssyncset.done $0x0  }
0x7f: {  	[sflag:s25] =	ssyncadd.s32 $0xFFFFE000  }
0x80: {  	_ =	swait.ge [sflag:s25], $0x800  }
0x81: {  	[sflag:s25] =	ssyncset.done $0x0  }
0x82: {  	s26 =	simm.s32 @p0 $0xF;
	[sflag:s25] =	ssyncadd.s32 $0xFFFFF800  }
0x83: {  	_ =	swait.ge @p0 [sflag:s26], $0x2000  }
0x84: {  	[sflag:s26] =	ssyncset.done @p0 $0x0  }
0x85: {  	[sflag:s26] =	ssyncadd.s32 @p0 $0xFFFFE000  }
0x86: {  	_ =	swait.ge @p0 [sflag:s26], $0x800  }
0x87: {  	[sflag:s26] =	ssyncset.done @p0 $0x0  }
0x88: {  	s30 =	simm.s32 @!p0 $0x5900;
	[sflag:s26] =	ssyncadd.s32 @p0 $0xFFFFF800;
	s26 =	sadd.s32 @!p0 $0x380, s24  }
0x89: {  	[tilespmem:s30], [sflag:$0x4] =	stream.indirect.gather @!p0 [hbm4b:s3+s28], $0x40, s26, s28, $0xb8;
	[tilespmem:$0xE100] =	vst v63  }
0x8a: {  	s30 =	simm.s32 @!p0 $0xC900  }
0x8b: {  	[tilespmem:s30], [sflag:$0x9] =	stream.indirect.gather @!p0 [hbm4b:s4+s28], $0x10, s26, s28, $0xb8;
	[tilespmem:$0xE100] =	vst v63  }
0x8c: {  	s26 =	simm.s32 @!p0 $0xF  }
0x8d: {  	_ =	swait.ge @!p0 [sflag:s26], $0x2000  }
0x8e: {  	[sflag:s26] =	ssyncset.done @!p0 $0x0  }
0x8f: {  	[sflag:s26] =	ssyncadd.s32 @!p0 $0xFFFFE000  }
0x90: {  	_ =	swait.ge @!p0 [sflag:s26], $0x800  }
0x91: {  	[sflag:s26] =	ssyncset.done @!p0 $0x0  }
0x92: {  	s30 =	simm.s32 @!p0 $0x7900;
	[sflag:s26] =	ssyncadd.s32 @!p0 $0xFFFFF800;
	s26 =	sadd.s32 @!p0 $0x400, s24  }
0x93: {  	[tilespmem:s30], [sflag:$0x5] =	stream.indirect.gather @!p0 [hbm4b:s3+s28], $0x40, s26, s28, $0xb8;
	[tilespmem:$0xE100] =	vst v63  }
0x94: {  	s30 =	simm.s32 @!p0 $0xD100  }
0x95: {  	[tilespmem:s30], [sflag:$0xA] =	stream.indirect.gather @!p0 [hbm4b:s4+s28], $0x10, s26, s28, $0xb8;
	[tilespmem:$0xE100] =	vst v63  }
0x96: {  	s17 =	sadd.s32 @!p0 $0x1400, s17;
	_ =	swait.ge [sflag:s29], $0x2000  }
0x97: {  	s16 =	sadd.s32 @!p0 $0x1400, s16;
	s18 =	sadd.s32 @!p0 $0x1400, s18;
	[sflag:s29] =	ssyncset.done $0x0  }
0x98: {  	s21 =	sadd.s32 @!p0 $0x500, s21;
	s23 =	sadd.s32 @!p0 $0xA00, s23;
	[sflag:s29] =	ssyncadd.s32 $0xFFFFE000  }
0x99: {  	s19 =	sadd.s32 @!p0 $0x1400, s19;
	p1 =	sne.s32 @!p0 s23, $0x6400;
	_ =	swait.ge [sflag:s29], $0x800  }
0x9a: {  	p1 =	por p0, !p1;
	s24 =	sadd.s32 @!p0 $0x480, s24;
	[sflag:s29] =	ssyncset.done $0x0  }
.Ltmp0:
0x9b: {  	s26 =	simm.s32 @!p0 $0x9900;
	[sflag:s29] =	ssyncadd.s32 $0xFFFFF800;
	(pc) =	sbr.rel @!p1 .LBB2_2-.Ltmp0, $4  }
0x9c: {  	[tilespmem:s26], [sflag:$0x6] =	stream.indirect.gather @!p0 [hbm4b:s3+s28], $0x40, s24, s28, $0xb8;
	[tilespmem:$0xE100] =	vst v63  }
0x9d: {  	s20 =	sadd.s32 @!p0 $0x1400, s20;
	s30 =	simm.s32 $0xC100;
	s26 =	simm.s32 @!p0 $0xD900  }
0x9e: {  	[tilespmem:s26], [sflag:$0xB] =	stream.indirect.gather @!p0 [hbm4b:s4+s28], $0x10, s24, s28, $0xb8;
	[tilespmem:$0xE100] =	vst v63  }
0x9f: {  	s28 =	simm.s32 $0x3900;
	s26 =	simm.s32 $0xB900;
	s24 =	simm.s32 $0x1900  }
0xa0: {  	s17 =	rddreg [dreg:$0xb]  }
0xa1: {  	s16 =	rddreg [dreg:$0x5];
	s17 =	sadd.s32 $0x1, s17  }
0xa2: {  	p0 =	sne.s32 s17, s16  }
.Ltmp1:
0xa3: {  	_ = 	snop;
	(pc) =	sbr.rel @p0 .LBB2_1-.Ltmp1, $3  }
0xa4: {  	_ =	sdelay $0x1  }
0xa5: {  	s18 =	simm.s32 $0x5900;
	s19 =	simm.s32 $0xC900;
	s20 =	simm.s32 $0x7900  }
0xa6: {  	s21 =	simm.s32 $0xD100;
	s23 =	simm.s32 $0x9900;
	s31 =	simm.s32 $0xD900  }
0xa7: {  	_ =	sfence.sel $0x180000  }
0xa8: {  	[bflag:$0x0] =	sbarrier.arrive $0xFFFF  }
0xa9: {  	_ =	strace $0x90000047  }
0xaa: {  	s0 =	stileid.u32;
	[bflag:$0x2] =	sbarrier.arrive $0xFFFF  }
0xab: {  	p0 =	sne.s32 s0, $0x0;
	s0 =	rddreg [dreg:$0x2]  }
0xac: {  	s0 =	sadd.s32 @!p0 $0x100000, s0  }
0xad: {  	[sflag:s0] =	ssyncadd.tile.s32 @!p0 $0x1;
	_ =	shalt  }
.Lfunc_end2:
_tile_overlayer_lowered:
.L_overlay_start_2:
0xae: {  	(tag) =	ssettag $0x2  }
0xaf: {  	s0 =	rddreg [dreg:$0x0];
	s2 =	stileid.u32  }
0xb0: {  	s1 =	rddreg [dreg:$0x1];
	p0 =	sne.s32 s2, $0x0  }
0xb1: {  	s3 =	rddreg [dreg:$0x2];
	[bflag:$0x3] =	sbarrier.arrive $0xFFFF;
	s2 =	simm.s32 @!p0 $0x1C11  }
0xb2: {  	[timem:s3], [sflag:s2] =	dma.local @!p0 [hbm:s0], s1  }
0xb3: {  	s0 =	simm.s32 @!p0 $0x11  }
0xb4: {  	_ =	swait.ge @!p0 [sflag:s0], s1  }
0xb5: {  	s1 =	ssub.s32 @!p0 $0x0, s1;
	[sflag:s0] =	ssyncset.done @!p0 $0x0  }
0xb6: {  	[sflag:s0] =	ssyncadd.s32 @!p0 s1  }
0xb7: {  	[bflag:$0x3] =	sbarrier.arrive $0xFFFF  }
0xb8: {  	_ =	shalt  }

// kernel: sparse-core-data-format-call.cloned.1.call-start
scs
called_computation_lowered:
.L_overlay_start_0:
0x0: {  	s2 =	sld [smem:$0x3FD9]  }
0x1: {  	s3 =	sld [smem:$0x3FFE];
	_ =	sdelay $0x1  }
0x2: {  	s1 =	srdreg.scid  }
0x3: {  	s0 =	sand.u32 $0x1, s1  }
0x4: {  	s18 =	sshll.u32 s0, $0xA;
	s2 =	sadd.s32 s3, s2  }
0x5: {  	s2 =	sadd.s32 s2, s18  }
0x6: {  	[smem:$0x3FC4] =	sst s2  }
0x7: {  	_ = 	snop  }
0x8: {  	s2 =	sld [smem:$0x3FD0];
	(tm) =	ssettm $0x1  }
0x9: {  	s19 =	sld [smem:$0x3FFB];
	_ =	sdelay $0x3  }
0xa: {  	_ =	strace s19  }
0xb: {  	s3 =	sld [smem:$0x3FFC];
	_ =	sdelay $0x3  }
0xc: {  	_ =	strace s3  }
0xd: {  	s3 =	sld [smem:$0x3FFD];
	_ =	sdelay $0x3  }
0xe: {  	_ =	strace s3  }
0xf: {  	_ =	strace $0x8FFFFFFF  }
0x10: {  	s20 =	sld [smem:$0x3FDB];
	_ =	sdelay $0x1  }
0x11: {  	s4 =	simm.s32 $_scs_section_size  }
0x12: {  	s5 =	simm.s32 $_size__tile_overlayer_lowered;
	s6 =	simm.s32 $_tile_overlayer_lowered  }
0x13: {  	s23 =	simm.s32 $0x1BFF;
	s22 =	sshll.u32 s6, $0x1;
	s3 =	sadd.s32 s4, s20  }
0x14: {  	s7 =	simm.s32 $0x0;
	s21 =	sshll.u32 s5, $0x1;
	s5 =	sadd.s32 s22, s3  }
0x15: {  	[timem:s7], [sflag:s23] =	dma.local [hbm:s5], s21  }
0x16: {  	_ =	swait.ge [sflag:s23], s21  }
0x17: {  	s4 =	ssub.s32 $0x0, s21;
	[sflag:s23] =	ssyncset.done $0x0  }
0x18: {  	[sflag:s23] =	ssyncadd.s32 s4;
	_ =	sdelay $0x1  }
0x19: {  	s24 =	simm.s32 $0x1B8B  }
0x1a: {  	_ =	swait.ge [sflag:s24], $0x1  }
0x1b: {  	[sflag:s24] =	ssyncset.done $0x0  }
0x1c: {  	s26 =	simm.s32 $0x1B8E;
	s25 =	sld [smem:$0x3FFE];
	[sflag:s24] =	ssyncadd.s32 $0xFFFFFFFF  }
0x1d: {  	s27 =	simm.s32 $execute0_lowered;
	[smem:$0x3FD2] =	sst s26  }
0x1e: {  	s5 =	sshll.u32 s27, $0x1;
	_ =	strace $0x80000049;
	[dreg:$0x1] =	wrdreg $0xFFFFFFFF  }
0x1f: {  	s28 =	simm.s32 $_size_execute0_lowered;
	s3 =	sadd.s32 s3, s5;
	[dreg:$0x0] =	wrdreg $0x0  }
0x20: {  	s5 =	sshll.u32 s28, $0x1;
	[dreg:$0x2] =	wrdreg s3  }
0x21: {  	[dreg:$0x3] =	wrdreg s5  }
0x22: {  	[dreg:$0x4] =	wrdreg $0xC0  }
0x23: {  	_ =	task [dreg:s7], $0x5FFFF  }
0x24: {  	[dreg:$0x1] =	wrdreg $0xFFFFFFFF  }
0x25: {  	[dreg:$0x0] =	wrdreg $0x60  }
0x26: {  	[dreg:$0x2] =	wrdreg s25  }
0x27: {  	[dreg:$0x3] =	wrdreg s2  }
0x28: {  	[dreg:$0x4] =	wrdreg $0x9  }
0x29: {  	_ =	task.clear_ibuf [dreg:s7], $0x5FFFF;
	_ =	strace $0x90000049  }
0x2a: {  	s29 =	simm.s32 $0x9;
	_ =	strace $0x8000004B  }
0x2b: {  	_ =	swait.ge [sflag:s29], $0x1  }
0x2c: {  	[sflag:s29] =	ssyncadd.s32 $0xFFFFFFFF  }
0x2d: {  	_ =	strace $0x9000004B  }
0x2e: {  	_ =	sfence  }
0x2f: {  	s30 =	sld [smem:$0x0];
	_ =	sdelay $0x2  }
0x30: {  	s31 =	sshll.u32 s1, $0xD;
	s1 =	sshrl.u32 s1, $0x2  }
0x31: {  	s3 =	sand.u32 $0x4000, s31;
	s1 =	sadd.s32 s1, s30  }
0x32: {  	s0 =	sor.u32 s3, s0;
	s1 =	sshll.u32 s1, $0x11  }
0x33: {  	s0 =	sor.u32 s1, s0  }
0x34: {  	s0 =	sadd.s32 $0x8F2B, s0  }
0x35: {  	[sflag:s0] =	ssyncadd.remote.s32 $0x1  }
0x36: {  	_ =	sfence.sel $0xFFFF  }
0x37: {  	[dreg:$0x0] =	wrdreg $0xFFFFFFFF;
	(pc) =	sbr.abs _section_cstart, $3  }
0x38: {  	[dreg:$0x1] =	wrdreg $0xFFFFFFFF  }
0x39: {  	_ =	task.clear_ibuf [dreg:s7], $0x2FFFF;
	_ =	strace $0x9FFFFFFF  }
0x3a: {  	(tm) =	ssettm $0x7FFFFFFF  }
0x3b: {  	_ =	shalt  }
tec
execute0_lowered:
.L_overlay_start_1:
0x0: {  	(tag) =	ssettag $0x1  }
0x1: {  	s0 =	srdreg.scid  }
0x2: {  	s1 =	sshll.u32 s0, $0x4  }
0x3: {  	s0 =	stileid.u32;
	s1 =	sand.u32 $0x10, s1  }
0x4: {  	s1 =	sor.u32 s0, s1  }
0x5: {  	s6 =	rddreg [dreg:$0x0];
	s4 =	simm.s32 $0x1;
	s2 =	sshll.u32 s1, $0x7  }
0x6: {  	s7 =	simm.s32 $0x2;
	s12 =	simm.s32 $0x0;
	s1 =	ssub.s32 $0x1000, s2  }
0x7: {  	s8 =	simm.s32 $0x8000;
	s13 =	simm.s32 $0x0;
	s3 =	sand.u32 $0xF80, s1  }
0x8: {  	s9 =	simm.s32 $0x0;
	s5 =	sshrl.u32 s1, $0xC;
	p0 =	sne.s32 s3, $0x0  }
.Ltmp0:
0x9: {  	s1 =	rddreg [dreg:$0x2];
	s4 =	simm.s32 @!p0 $0x0;
	(pc) =	sbr.rel .LBB1_1-.Ltmp0, $4  }
0xa: {  	s11 =	simm.s32 $0x0;
	s3 =	rddreg [dreg:$0x1];
	s5 =	sadd.s32 s4, s5  }
0xb: {  	_ =	strace $0x8000004A;
	s4 =	simm.s32 $0x1;
	s5 =	smul.u32 $0x32, s5  }
0xc: {  	s6 =	sadd.s32 $0x1000, s6;
	s10 =	smov.u32 s2;
	[sflag:s4] =	ssyncpa.u1 $0x0  }
0xd: {  	p0 =	por $0x0, $0x0;
	[sflag:s7] =	ssyncpa.u1 $0x0;
	s7 =	sor.u32 $0x1, s5  }
.LBB1_4:
0xe: {  	s16 =	sshll.u32 s13, $0x3;
	s17 =	sand.u32 $0x78, s13  }
0xf: {  	s30 =	sand.u32 $0x7E00, s13;
	s12 =	sshll.u32 s12, $0xF;
	s16 =	sand.u32 $0xC00, s16  }
0x10: {  	[tilespmem:s15+$0x810 ss:$0x81] =	vst.msk $0xffff, v2;
	s31 =	sand.u32 $0x7, s13;
	s16 =	sor.u32 s17, s16;
	s17 =	sadd.s32 s3, s30  }
0x11: {  	[tilespmem:s15+$0x1020 ss:$0x81] =	vst.msk $0xffff, v0;
	s13 =	sshll.u32 s31, $0x12;
	s12 =	sadd.s32 s12, s17;
	s16 =	sshrl.u32 s16, $0x3  }
0x12: {  	[tilespmem:s15+$0x0 ss:$0x81] =	vst.msk $0xffff, v1;
	s13 =	sor.u32 $0x400, s13;
	s12 =	sadd.s32 s16, s12  }
0x13: {  	[hbm4b:s12+s13] =	stream.strided.scatter [tilespmem:s14], [sflag:$0x2], $0x2000, s8, s13, $0x20;
	[tilespmem:$0x8080] =	vst v63  }
.LBB1_5:
0x14: {  	s14 =	sadd.s32 $0x1, s9  }
0x15: {  	s12 =	sadd.s32 $0x1000, s10;
	s16 =	smov.u32 s10;
	p2 =	sgt.s32 s14, $0x31  }
0x16: {  	s16 =	smov.u32 @p2 s12  }
0x17: {  	s14 =	simm.s32 @p2 $0x0;
	p2 =	sgt.s32 s16, $0xFFF  }
0x18: {  	s16 =	smov.u32 @p2 s2;
	p2 =	sne.s32 s11, s7  }
.Ltmp1:
0x19: {  	p1 =	slt.u32 s11, $0x2;
	(pc) =	sbr.rel @!p2 .LBB1_6-.Ltmp1, $4  }
0x1a: {  	s15 =	simm.s32 @!p1 $0x2  }
0x1b: {  	s13 =	smov.u32 s10;
	p0 =	por !p0, !p0;
	_ =	swait.ge @!p1 [sflag:s15], $0x2000  }
0x1c: {  	s12 =	smov.u32 s9;
	[sflag:s15] =	ssyncset.done @!p1 $0x0;
	s9 =	smov.u32 s14  }
0x1d: {  	s11 =	sadd.s32 $0x1, s11;
	[sflag:s15] =	ssyncadd.s32 @!p1 $0xFFFFE000;
	s10 =	smov.u32 s16  }
.LBB1_1:
0x1e: {  	p1 =	sge.u32 s11, s5  }
0x1f: {  	s14 =	sand.u32 @!p1 $0x1FFFFFF, s9  }
0x20: {  	s15 =	smulhi.u32 @!p1 $0x4924925, s14;
	_ =	sdelay $0x1  }
0x21: {  	s15 =	smul.u32 @!p1 $0x38, s15  }
0x22: {  	s16 =	sxor.u32 @!p1 $0xFFFFFFFF, s11;
	s17 =	smul.u32 @!p1 $0x380, s10  }
0x23: {  	s31 =	sadd.s32 $0xFFFFFFFF, s11;
	s16 =	sshll.u32 @!p1 s16, $0xD;
	s14 =	ssub.s32 @!p1 s14, s15  }
0x24: {  	s15 =	sand.u32 @!p1 $0x2000, s16;
	s16 =	sadd.s32 @!p1 s6, s17;
	s14 =	sshll.u32 @!p1 s14, $0x4  }
0x25: {  	s17 =	simm.s32 @!p1 $0x1C00;
	s14 =	sadd.s32 @!p1 s14, s16;
	s16 =	simm.s32 @!p1 $0x40  }
0x26: {  	[tilespmem:s15], [sflag:$0x1] =	stream.strided.gather @!p1 [hbm4b:s14+s16], $0x2000, s17, s16, $0x38;
	[tilespmem:$0x8080] =	vst v63  }
0x27: {  	p1 =	sge.u32 s31, s5  }
.Ltmp2:
0x28: {  	_ = 	snop;
	(pc) =	sbr.rel @p1 .LBB1_5-.Ltmp2, $1  }
0x29: {  	_ =	sdelay $0x3  }
0x2a: {  	s14 =	simm.s32 $0x1  }
0x2b: {  	_ =	swait.ge [sflag:s4], $0x2000;
	s14 =	simm.s32 @!p0 $0x0  }
0x2c: {  	[sflag:s4] =	ssyncset.done $0x0;
	s15 =	sshll.u32 s14, $0xD  }
0x2d: {  	[sflag:s4] =	ssyncadd.s32 $0xFFFFE000;
	s18 =	sor.u32 $0x20, s15  }
0x2e: {  	s14 =	smul.u32 $0x8100, s14;
	v3 =	vld [tilespmem:s18+$0x10]  }
0x2f: {  	s30 =	sand.u32 $0x1, s11;
	v2 =	vld [tilespmem:s18+$0xFFFFFFF0]  }
0x30: {  	s15 =	smul.u32 $0x8100, s30;
	s14 =	sshrl.u32 s14, $0x2;
	v0 =	vld [tilespmem:s18+$0x0]  }
0x31: {  	v1 =	vld [tilespmem:s18+$0xFFFFFFE0];
	s16 =	sor.u32 $0x4000, s14  }
0x32: {  	s31 =	sshrl.u32 s15, $0x2;
	s15 =	sadd.s32 $0x0, s16  }
0x33: {  	s17 =	simm.s32 $0x4;
	s18 =	sadd.s32 $0x40, s18;
	s14 =	sor.u32 $0x4000, s31;
	[tilespmem:s15+$0x1830 ss:$0x81] =	vst.msk $0xffff, v3  }
.LBB1_3:
0x34: {  	v3 =	vld [tilespmem:s18+$0x10];
	p1 =	sne.s32 s17, $0x1FC;
	[tilespmem:s15+$0x810 ss:$0x81] =	vst.msk $0xffff, v2;
	s19 =	smov.u32 s17;
	s17 =	sadd.s32 $0x4, s17  }
.Ltmp3:
0x35: {  	v2 =	vld [tilespmem:s18+$0xFFFFFFF0];
	[tilespmem:s15+$0x1020 ss:$0x81] =	vst.msk $0xffff, v0;
	(pc) =	sbr.rel @p1 .LBB1_3-.Ltmp3, $4  }
0x36: {  	v0 =	vld [tilespmem:s18+$0x0];
	[tilespmem:s15+$0x0 ss:$0x81] =	vst.msk $0xffff, v1  }
0x37: {  	s15 =	sshra.s32 s19, $0x2;
	v1 =	vld [tilespmem:s18+$0xFFFFFFE0]  }
0x38: {  	s15 =	sadd.s32 s15, s16  }
0x39: {  	s18 =	sadd.s32 $0x40, s18;
	[tilespmem:s15+$0x1830 ss:$0x81] =	vst.msk $0xffff, v3  }
.Ltmp4:
0x3a: {  	_ = 	snop;
	(pc) =	sbr.rel .LBB1_4-.Ltmp4, $1  }
0x3b: {  	_ =	sdelay $0x3  }
.LBB1_6:
0x3c: {  	_ =	sfence.sel $0x180000  }
0x3d: {  	s2 =	simm.s32 $0x1;
	[bflag:$0x0] =	sbarrier.arrive $0xFFFF  }
0x3e: {  	s31 =	simm.s32 $0x2;
	[sflag:s2] =	ssyncpa.u1 $0x1  }
0x3f: {  	[sflag:s31] =	ssyncpa.u1 $0x1  }
0x40: {  	p0 =	sne.s32 s0, $0x0;
	_ =	strace $0x9000004A  }
0x41: {  	s0 =	sadd.s32 @!p0 $0x100000, s1;
	[bflag:$0x2] =	sbarrier.arrive $0xFFFF  }
0x42: {  	[sflag:s0] =	ssyncadd.tile.s32 @!p0 $0x1;
	_ =	shalt  }
.Lfunc_end1:
_tile_overlayer_lowered:
.L_overlay_start_2:
0x43: {  	(tag) =	ssettag $0x2  }
0x44: {  	s0 =	rddreg [dreg:$0x0];
	s2 =	stileid.u32  }
0x45: {  	s1 =	rddreg [dreg:$0x1];
	p0 =	sne.s32 s2, $0x0  }
0x46: {  	s3 =	rddreg [dreg:$0x2];
	[bflag:$0x3] =	sbarrier.arrive $0xFFFF;
	s2 =	simm.s32 @!p0 $0x1C01  }
0x47: {  	[timem:s3], [sflag:s2] =	dma.local @!p0 [hbm:s0], s1  }
0x48: {  	s0 =	simm.s32 @!p0 $0x1  }
0x49: {  	_ =	swait.ge @!p0 [sflag:s0], s1  }
0x4a: {  	s1 =	ssub.s32 @!p0 $0x0, s1;
	[sflag:s0] =	ssyncset.done @!p0 $0x0  }
0x4b: {  	[sflag:s0] =	ssyncadd.s32 @!p0 s1  }
0x4c: {  	[bflag:$0x3] =	sbarrier.arrive $0xFFFF  }
0x4d: {  	_ =	shalt  }

</sc_bundles>
